<compile_context>
chip_gen: v7x
topology: tpu7x:2x2x1
jax: 0.10.2.dev20260603
libtpu: 0.0.44.dev20260713+nightly
codegen_flags: <defaults>
</compile_context>

<pallas_src>
import jax
import jax.numpy as jnp
from jax.experimental import pallas as pl
from jax.experimental.pallas import tpu as pltpu

_STRIDES = (8, 16, 32, 64, 128)
_NUM_CLS = 80
_MAXDET = 1000
_SCORE_THR = 0.05
_IOU_THR = 0.6
_IMG = 512

_K = 1024
_NMST = 128

_HIGH = jax.lax.Precision.HIGHEST


def _conv(x, w, s, pad):
    return jax.lax.conv_general_dilated(
        x, w, (s, s), pad, dimension_numbers=('NCHW', 'OIHW', 'NCHW'))


def _dotc(a, b):
    return jax.lax.dot_general(a, b, (((0,), (0,)), ((), ())),
                               preferred_element_type=jnp.float32,
                               precision=_HIGH)


def _to_row(col):
    return jax.lax.dot_general(jnp.ones((1, 1), jnp.float32), col,
                               (((1,), (1,)), ((), ())),
                               preferred_element_type=jnp.float32,
                               precision=_HIGH)


def _post_kernel(tb_ref, ts_ref, tc_ref, pred_ref, num_ref, m_scr):
    zpad = jnp.zeros((_K - _MAXDET, 1), jnp.float32)
    boxcol = lambda c: jnp.concatenate([tb_ref[0][:, c:c + 1], zpad], axis=0)
    tbx1 = boxcol(0)
    tby1 = boxcol(1)
    tbx2 = boxcol(2)
    tby2 = boxcol(3)
    ts = jnp.concatenate([ts_ref[0][:, 0:1], zpad], axis=0)
    tc = jnp.concatenate([tc_ref[0][:, 0:1], zpad], axis=0)
    r_row = jax.lax.broadcasted_iota(jnp.int32, (1, _K), 1).astype(jnp.float32)
    i_col = jax.lax.broadcasted_iota(jnp.int32, (_K, 1), 0)
    valid = ((ts > _SCORE_THR) & (i_col < _MAXDET)).astype(jnp.float32)

    off = tc * (2.0 * _IMG)
    x1c = tbx1 + off
    y1c = tby1 + off
    x2c = tbx2 + off
    y2c = tby2 + off
    area_c = (jnp.clip(x2c - x1c, 0.0) * jnp.clip(y2c - y1c, 0.0))
    x1r = _to_row(x1c)
    y1r = _to_row(y1c)
    x2r = _to_row(x2c)
    y2r = _to_row(y2c)
    area_r = _to_row(area_c)
    jk_row = jax.lax.broadcasted_iota(jnp.int32, (1, _K), 1)
    for c in range(_K // _NMST):
        sl = lambda a: jax.lax.slice(a, (c * _NMST, 0), ((c + 1) * _NMST, 1))
        xx1 = jnp.maximum(sl(x1c), x1r)
        yy1 = jnp.maximum(sl(y1c), y1r)
        xx2 = jnp.minimum(sl(x2c), x2r)
        yy2 = jnp.minimum(sl(y2c), y2r)
        inter = jnp.clip(xx2 - xx1, 0.0) * jnp.clip(yy2 - yy1, 0.0)
        iou = inter / (sl(area_c) + area_r - inter + 1e-9)
        ic = (jax.lax.broadcasted_iota(jnp.int32, (_NMST, 1), 0) + c * _NMST)
        m_scr[c * _NMST:(c + 1) * _NMST, :] = (
            (iou > _IOU_THR) & (jk_row > ic)).astype(jnp.float32)
    m = m_scr[...]

    def fix_cond(carry):
        return carry[1]

    def fix_body(carry):
        keep, _ = carry
        supp = _dotc(m, keep)
        newk = jnp.where((supp < 0.5) & (valid > 0), 1.0, 0.0)
        return newk, jnp.any(newk != keep)

    keep, _ = jax.lax.while_loop(fix_cond, fix_body, (valid, True))

    incl = keep
    d = 1
    while d < _K:
        shifted = jnp.concatenate(
            [jnp.zeros((d, 1), jnp.float32),
             jax.lax.slice(incl, (0, 0), (_K - d, 1))], axis=0)
        incl = incl + shifted
        d *= 2
    pos = incl - keep

    pdata = jnp.concatenate(
        [jnp.clip(tbx1, 0.0, float(_IMG)),
         jnp.clip(tby1, 0.0, float(_IMG)),
         jnp.clip(tbx2, 0.0, float(_IMG)),
         jnp.clip(tby2, 0.0, float(_IMG)),
         ts, tc, jnp.zeros((_K, 2), jnp.float32)], axis=1)
    out = jnp.zeros((_K, 8), jnp.float32)
    for c in range(_K // _NMST):
        sl = lambda a: jax.lax.slice(a, (c * _NMST, 0), ((c + 1) * _NMST, 1))
        scat = (sl(pos) == r_row).astype(jnp.float32) * sl(keep)
        dchunk = jax.lax.slice(pdata, (c * _NMST, 0), ((c + 1) * _NMST, 8))
        out = out + _dotc(scat, dchunk)
    pred_ref[0] = out
    num_ref[0] = jnp.full((1, 128), jnp.sum(keep), jnp.float32)


def kernel_nms(tb, ts, tc):
    bsz = tb.shape[0]
    ts3 = ts[:, :, None]
    tc3 = tc[:, :, None].astype(jnp.float32)
    pred, num = pl.pallas_call(
        _post_kernel,
        grid=(bsz,),
        in_specs=[
            pl.BlockSpec((1, _MAXDET, 4), lambda b: (b, 0, 0)),
            pl.BlockSpec((1, _MAXDET, 1), lambda b: (b, 0, 0)),
            pl.BlockSpec((1, _MAXDET, 1), lambda b: (b, 0, 0)),
        ],
        out_specs=[
            pl.BlockSpec((1, _K, 8), lambda b: (b, 0, 0)),
            pl.BlockSpec((1, 1, 128), lambda b: (b, 0, 0)),
        ],
        out_shape=[
            jax.ShapeDtypeStruct((bsz, _K, 8), jnp.float32),
            jax.ShapeDtypeStruct((bsz, 1, 128), jnp.float32),
        ],
        scratch_shapes=[pltpu.VMEM((_K, _K), jnp.float32)],
        compiler_params=pltpu.CompilerParams(
            dimension_semantics=("arbitrary",)),
    )(tb, ts3, tc3)
    return pred[:, :_MAXDET, :6], num[:, 0, 0]


def kernel(preprocesed_image, W_stem, W_down, W_cls, b_cls, W_cnt, b_cnt,
           W_reg, b_reg):
    bsz = preprocesed_image.shape[0]
    p = jax.nn.relu(_conv(preprocesed_image, W_stem, 8, 'VALID'))
    feats = [p]
    for i in range(4):
        p = jax.nn.relu(_conv(p, W_down[i], 2, 'SAME'))
        feats.append(p)
    boxes_l, scores_l = [], []
    for f, s in zip(feats, _STRIDES):
        h, wd = f.shape[2], f.shape[3]
        cls_l = _conv(f, W_cls, 1, 'SAME') + b_cls[None, :, None, None]
        cnt_l = _conv(f, W_cnt, 1, 'SAME') + b_cnt[None, :, None, None]
        reg_l = _conv(f, W_reg, 1, 'SAME') + b_reg[None, :, None, None]
        ltrb = jnp.exp(reg_l) * float(s)
        ys = (jnp.arange(h, dtype=jnp.float32) + 0.5) * s
        xs = (jnp.arange(wd, dtype=jnp.float32) + 0.5) * s
        cy, cx = jnp.meshgrid(ys, xs, indexing='ij')
        cx = cx.reshape(-1)[None]
        cy = cy.reshape(-1)[None]
        l_ = ltrb[:, 0].reshape(bsz, -1)
        t_ = ltrb[:, 1].reshape(bsz, -1)
        r_ = ltrb[:, 2].reshape(bsz, -1)
        bb = ltrb[:, 3].reshape(bsz, -1)
        boxes_l.append(jnp.stack([cx - l_, cy - t_, cx + r_, cy + bb],
                                 axis=-1))
        cls_p = jax.nn.sigmoid(cls_l).reshape(bsz, _NUM_CLS, -1
                                              ).transpose(0, 2, 1)
        cnt_p = jax.nn.sigmoid(cnt_l).reshape(bsz, 1, -1).transpose(0, 2, 1)
        scores_l.append(jnp.sqrt(cls_p * cnt_p))
    boxes = jnp.concatenate(boxes_l, 1)
    scores = jnp.concatenate(scores_l, 1)

    def _select_single(boxes_i, scores_i):
        cls_s = jnp.max(scores_i, axis=-1)
        cls_i = jnp.argmax(scores_i, axis=-1)
        top_s, top_idx = jax.lax.top_k(cls_s, _MAXDET)
        return boxes_i[top_idx], top_s, cls_i[top_idx]

    tb, top_s, tc = jax.vmap(_select_single)(boxes, scores)
    return kernel_nms(tb, top_s, tc)

# --- scband reference (transcript-rebuilt; emitter-appended) ---
"""Pipeline reference for scband-fcosinference-16930761081535 (READ-ONLY COPY).

The authoritative reference and input builder live on the scoring server;
editing this copy changes nothing except your own understanding.
"""

import jax, jax.numpy as jnp
import numpy as np

STRIDES = [8, 16, 32, 64, 128]
NUM_CLS = 80
MAXDET = 1000
SCORE_THR = 0.05
IOU_THR = 0.6
IMG = 512
B = 4


def setup_inputs(seed: int = 0) -> dict:
    key = jax.random.key(seed)
    ks = jax.random.split(key, 9)
    inp = {}
    inp["preprocesed_image"] = jax.random.normal(ks[0], (B, 3, IMG, IMG), jnp.float32)
    inp["W_stem"] = jax.random.normal(ks[1], (256, 3, 8, 8), jnp.float32) * 0.05
    inp["W_down"] = jax.random.normal(ks[2], (4, 256, 256, 3, 3), jnp.float32) * 0.02
    inp["W_cls"] = jax.random.normal(ks[3], (NUM_CLS, 256, 1, 1), jnp.float32) * 0.01
    inp["b_cls"] = jnp.full((NUM_CLS,), -4.59, jnp.float32)
    inp["W_cnt"] = jax.random.normal(ks[4], (1, 256, 1, 1), jnp.float32) * 0.01
    inp["b_cnt"] = jnp.zeros((1,), jnp.float32)
    inp["W_reg"] = jax.random.normal(ks[5], (4, 256, 1, 1), jnp.float32) * 0.01
    inp["b_reg"] = jnp.zeros((4,), jnp.float32)
    return inp


def _conv(x, w, s, pad):
    return jax.lax.conv_general_dilated(x, w, (s, s), pad,
                                        dimension_numbers=('NCHW', 'OIHW', 'NCHW'))


def _fcos_forward(img, W_stem, W_down, W_cls, b_cls, W_cnt, b_cnt, W_reg, b_reg):
    # stand-in backbone/FPN: stride-8 stem then stride-2 downsamples -> P3..P7
    p = jax.nn.relu(_conv(img, W_stem, 8, 'VALID'))
    feats = [p]
    for i in range(4):
        p = jax.nn.relu(_conv(p, W_down[i], 2, 'SAME'))
        feats.append(p)
    Bsz = img.shape[0]
    boxes_l, scores_l = [], []
    for f, s in zip(feats, STRIDES):
        h, wd = f.shape[2], f.shape[3]
        cls_l = _conv(f, W_cls, 1, 'SAME') + b_cls[None, :, None, None]
        cnt_l = _conv(f, W_cnt, 1, 'SAME') + b_cnt[None, :, None, None]
        reg_l = _conv(f, W_reg, 1, 'SAME') + b_reg[None, :, None, None]
        ltrb = jnp.exp(reg_l) * float(s)  # [B,4,h,w]
        ys = (jnp.arange(h, dtype=jnp.float32) + 0.5) * s
        xs = (jnp.arange(wd, dtype=jnp.float32) + 0.5) * s
        cy, cx = jnp.meshgrid(ys, xs, indexing='ij')
        cx = cx.reshape(-1)[None]
        cy = cy.reshape(-1)[None]
        l_ = ltrb[:, 0].reshape(Bsz, -1)
        t_ = ltrb[:, 1].reshape(Bsz, -1)
        r_ = ltrb[:, 2].reshape(Bsz, -1)
        bb = ltrb[:, 3].reshape(Bsz, -1)
        boxes_l.append(jnp.stack([cx - l_, cy - t_, cx + r_, cy + bb], axis=-1))
        cls_p = jax.nn.sigmoid(cls_l).reshape(Bsz, NUM_CLS, -1).transpose(0, 2, 1)
        cnt_p = jax.nn.sigmoid(cnt_l).reshape(Bsz, 1, -1).transpose(0, 2, 1)
        # add_centerness_in_cls_prob=True -> geometric mean
        scores_l.append(jnp.sqrt(cls_p * cnt_p))
    return jnp.concatenate(boxes_l, 1), jnp.concatenate(scores_l, 1)


def _nms_keep(boxes, valid):
    # boxes sorted by descending score; class-aware via coordinate offset
    N = boxes.shape[0]
    areas = jnp.clip(boxes[:, 2] - boxes[:, 0], 0.0) * jnp.clip(boxes[:, 3] - boxes[:, 1], 0.0)
    idx = jnp.arange(N)

    def body(keep, i):
        bi = boxes[i]
        xx1 = jnp.maximum(bi[0], boxes[:, 0])
        yy1 = jnp.maximum(bi[1], boxes[:, 1])
        xx2 = jnp.minimum(bi[2], boxes[:, 2])
        yy2 = jnp.minimum(bi[3], boxes[:, 3])
        inter = jnp.clip(xx2 - xx1, 0.0) * jnp.clip(yy2 - yy1, 0.0)
        iou = inter / (areas[i] + areas - inter + 1e-9)
        sup = (iou > IOU_THR) & (idx > i) & keep[i]
        return keep & (~sup), None

    keep, _ = jax.lax.scan(body, valid, jnp.arange(N))
    return keep


def _post_single(boxes, scores):
    cls_s = jnp.max(scores, axis=-1)
    cls_i = jnp.argmax(scores, axis=-1)
    top_s, top_idx = jax.lax.top_k(cls_s, MAXDET)
    tb = boxes[top_idx]
    tc = cls_i[top_idx]
    valid = top_s > SCORE_THR
    off = tc.astype(jnp.float32) * (2.0 * IMG)
    keep = _nms_keep(jax.lax.stop_gradient(tb + off[:, None]), valid)
    order = jnp.argsort(jnp.where(keep, 0, 1))  # stable: kept rows first, score order preserved
    kb = tb[order]
    ksc = top_s[order]
    kc = tc[order]
    km = keep[order]
    x1 = jnp.clip(kb[:, 0], 0.0, float(IMG))
    y1 = jnp.clip(kb[:, 1], 0.0, float(IMG))
    x2 = jnp.clip(kb[:, 2], 0.0, float(IMG))
    y2 = jnp.clip(kb[:, 3], 0.0, float(IMG))
    pred = jnp.stack([x1, y1, x2, y2, ksc, kc.astype(jnp.float32)], axis=-1)
    pred = pred * km[:, None].astype(jnp.float32)  # zero padding rows
    return pred, km.sum().astype(jnp.float32)


def reference(preprocesed_image, W_stem, W_down, W_cls, b_cls, W_cnt, b_cnt, W_reg, b_reg):
    boxes, scores = _fcos_forward(preprocesed_image, W_stem, W_down, W_cls, b_cls,
                                  W_cnt, b_cnt, W_reg, b_reg)
    final_prediction, num_bboxes = jax.vmap(_post_single)(boxes, scores)
    return final_prediction, num_bboxes

if __name__ == "__main__":
    import jax
    _d = setup_inputs()
    print(jax.jit(kernel)(*tuple(_d.values())))

</pallas_src>

<mosaic_0001>
module attributes {stable_mosaic.version = 14 : i64} {
  func.func @_post_kernel(%arg0: i32, %arg1: memref<1x1000x4xf32, #tpu.memory_space<vmem>>, %arg2: memref<1x1000x1xf32, #tpu.memory_space<vmem>>, %arg3: memref<1x1000x1xf32, #tpu.memory_space<vmem>>, %arg4: memref<1x1024x8xf32, #tpu.memory_space<vmem>>, %arg5: memref<1x1x128xf32, #tpu.memory_space<vmem>>, %arg6: memref<1024x1024xf32, #tpu.memory_space<vmem>>) attributes {dimension_semantics = [#tpu.dimension_semantics<arbitrary>], iteration_bounds = array<i64: 4>, scalar_prefetch = 0 : i64, scratch_operands = 1 : i64, tpu.core_type = #tpu.core_type<tc>, window_params = [{transform_indices = @transform_0, window_bounds = array<i64: 1, 1000, 4>}, {transform_indices = @transform_1, window_bounds = array<i64: 1, 1000, 1>}, {transform_indices = @transform_2, window_bounds = array<i64: 1, 1000, 1>}, {transform_indices = @transform_3, window_bounds = array<i64: 1, 1024, 8>}, {transform_indices = @transform_4, window_bounds = array<i64: 1, 1, 128>}]} {
    %broadcast_in_dim3A = arith.constant 0.000000e+00 : f32
    %broadcast_in_dim3A_0 = vector.broadcast %broadcast_in_dim3A : f32 to vector<24x1xf32>
    %get3A = arith.constant 0 : index
    %get3A_1 = arith.constant 0 : index
    %get3A_2 = arith.constant 0 : index
    %get3A_3 = vector.load %arg1[%get3A, %get3A_1, %get3A_2] : memref<1x1000x4xf32, #tpu.memory_space<vmem>>, vector<1x1000x4xf32>
    %get3A_4 = vector.shape_cast %get3A_3 : vector<1x1000x4xf32> to vector<1000x4xf32>
    %slice3A = vector.extract_strided_slice %get3A_4 {offsets = [0, 0], sizes = [1000, 1], strides = [1, 1]} : vector<1000x4xf32> to vector<1000x1xf32>
    %concatenate3A = tpu.concatenate %slice3A, %broadcast_in_dim3A_0 in 0 : vector<1000x1xf32>, vector<24x1xf32> -> vector<1024x1xf32>
    %get3A_5 = arith.constant 0 : index
    %get3A_6 = arith.constant 0 : index
    %get3A_7 = arith.constant 0 : index
    %get3A_8 = vector.load %arg1[%get3A_5, %get3A_6, %get3A_7] : memref<1x1000x4xf32, #tpu.memory_space<vmem>>, vector<1x1000x4xf32>
    %get3A_9 = vector.shape_cast %get3A_8 : vector<1x1000x4xf32> to vector<1000x4xf32>
    %slice3A_10 = vector.extract_strided_slice %get3A_9 {offsets = [0, 1], sizes = [1000, 1], strides = [1, 1]} : vector<1000x4xf32> to vector<1000x1xf32>
    %concatenate3A_11 = tpu.concatenate %slice3A_10, %broadcast_in_dim3A_0 in 0 : vector<1000x1xf32>, vector<24x1xf32> -> vector<1024x1xf32>
    %get3A_12 = arith.constant 0 : index
    %get3A_13 = arith.constant 0 : index
    %get3A_14 = arith.constant 0 : index
    %get3A_15 = vector.load %arg1[%get3A_12, %get3A_13, %get3A_14] : memref<1x1000x4xf32, #tpu.memory_space<vmem>>, vector<1x1000x4xf32>
    %get3A_16 = vector.shape_cast %get3A_15 : vector<1x1000x4xf32> to vector<1000x4xf32>
    %slice3A_17 = vector.extract_strided_slice %get3A_16 {offsets = [0, 2], sizes = [1000, 1], strides = [1, 1]} : vector<1000x4xf32> to vector<1000x1xf32>
    %concatenate3A_18 = tpu.concatenate %slice3A_17, %broadcast_in_dim3A_0 in 0 : vector<1000x1xf32>, vector<24x1xf32> -> vector<1024x1xf32>
    %get3A_19 = arith.constant 0 : index
    %get3A_20 = arith.constant 0 : index
    %get3A_21 = arith.constant 0 : index
    %get3A_22 = vector.load %arg1[%get3A_19, %get3A_20, %get3A_21] : memref<1x1000x4xf32, #tpu.memory_space<vmem>>, vector<1x1000x4xf32>
    %get3A_23 = vector.shape_cast %get3A_22 : vector<1x1000x4xf32> to vector<1000x4xf32>
    %slice3A_24 = vector.extract_strided_slice %get3A_23 {offsets = [0, 3], sizes = [1000, 1], strides = [1, 1]} : vector<1000x4xf32> to vector<1000x1xf32>
    %concatenate3A_25 = tpu.concatenate %slice3A_24, %broadcast_in_dim3A_0 in 0 : vector<1000x1xf32>, vector<24x1xf32> -> vector<1024x1xf32>
    %get3A_26 = arith.constant 0 : index
    %get3A_27 = arith.constant 0 : index
    %get3A_28 = arith.constant 0 : index
    %get3A_29 = vector.load %arg2[%get3A_26, %get3A_27, %get3A_28] : memref<1x1000x1xf32, #tpu.memory_space<vmem>>, vector<1x1000x1xf32>
    %get3A_30 = vector.shape_cast %get3A_29 : vector<1x1000x1xf32> to vector<1000x1xf32>
    %concatenate3A_31 = tpu.concatenate %get3A_30, %broadcast_in_dim3A_0 in 0 : vector<1000x1xf32>, vector<24x1xf32> -> vector<1024x1xf32>
    %get3A_32 = arith.constant 0 : index
    %get3A_33 = arith.constant 0 : index
    %get3A_34 = arith.constant 0 : index
    %get3A_35 = vector.load %arg3[%get3A_32, %get3A_33, %get3A_34] : memref<1x1000x1xf32, #tpu.memory_space<vmem>>, vector<1x1000x1xf32>
    %get3A_36 = vector.shape_cast %get3A_35 : vector<1x1000x1xf32> to vector<1000x1xf32>
    %concatenate3A_37 = tpu.concatenate %get3A_36, %broadcast_in_dim3A_0 in 0 : vector<1000x1xf32>, vector<24x1xf32> -> vector<1024x1xf32>
    %iota3A = tpu.iota {dimensions = array<i32: 1>} : vector<1x1024xi32>
    %convert_element_type3A = arith.sitofp %iota3A : vector<1x1024xi32> to vector<1x1024xf32>
    %iota3A_38 = tpu.iota {dimensions = array<i32: 0>} : vector<1024x1xi32>
    %gt3A = arith.constant 5.000000e-02 : f32
    %gt3A_39 = vector.broadcast %gt3A : f32 to vector<1024x1xf32>
    %gt3A_40 = arith.cmpf ogt, %concatenate3A_31, %gt3A_39 : vector<1024x1xf32>
    %lt3A = arith.constant 1000 : i32
    %lt3A_41 = vector.broadcast %lt3A : i32 to vector<1024x1xi32>
    %lt3A_42 = arith.cmpi slt, %iota3A_38, %lt3A_41 : vector<1024x1xi32>
    %and3A = arith.andi %gt3A_40, %lt3A_42 : vector<1024x1xi1>
    %convert_element_type3A_43 = arith.extui %and3A : vector<1024x1xi1> to vector<1024x1xi32>
    %convert_element_type3A_44 = arith.sitofp %convert_element_type3A_43 : vector<1024x1xi32> to vector<1024x1xf32>
    %mul3A = arith.constant 1.024000e+03 : f32
    %mul3A_45 = vector.broadcast %mul3A : f32 to vector<1024x1xf32>
    %mul3A_46 = arith.mulf %concatenate3A_37, %mul3A_45 : vector<1024x1xf32>
    %add3A = arith.addf %concatenate3A, %mul3A_46 : vector<1024x1xf32>
    %add3A_47 = arith.addf %concatenate3A_11, %mul3A_46 : vector<1024x1xf32>
    %add3A_48 = arith.addf %concatenate3A_18, %mul3A_46 : vector<1024x1xf32>
    %add3A_49 = arith.addf %concatenate3A_25, %mul3A_46 : vector<1024x1xf32>
    %sub3A = arith.subf %add3A_48, %add3A : vector<1024x1xf32>
    %jit3A = arith.constant 0.000000e+00 : f32
    %max3A = vector.broadcast %jit3A : f32 to vector<1024x1xf32>
    %max3A_50 = arith.maximumf %max3A, %sub3A : vector<1024x1xf32>
    %sub3A_51 = arith.subf %add3A_49, %add3A_47 : vector<1024x1xf32>
    %jit3A_52 = arith.constant 0.000000e+00 : f32
    %max3A_53 = vector.broadcast %jit3A_52 : f32 to vector<1024x1xf32>
    %max3A_54 = arith.maximumf %max3A_53, %sub3A_51 : vector<1024x1xf32>
    %mul3A_55 = arith.mulf %max3A_50, %max3A_54 : vector<1024x1xf32>
    %broadcast_in_dim3A_56 = arith.constant 1.000000e+00 : f32
    %broadcast_in_dim3A_57 = vector.broadcast %broadcast_in_dim3A_56 : f32 to vector<1x1xf32>
    %dot_general3A = arith.constant dense<0.000000e+00> : vector<1x1024xf32>
    %dot_general3A_58 = tpu.matmul %broadcast_in_dim3A_57, %add3A, %dot_general3A {dimension_numbers = #tpu.dot_dimension_numbers<[1], [1], [0], [0], [0, 0, 1, 0], [], []>, precision = #tpu.contract_precision<fp32>, transpose_lhs_hint = false} : vector<1x1xf32>, vector<1024x1xf32>, vector<1x1024xf32> -> vector<1x1024xf32>
    %broadcast_in_dim3A_59 = arith.constant 1.000000e+00 : f32
    %broadcast_in_dim3A_60 = vector.broadcast %broadcast_in_dim3A_59 : f32 to vector<1x1xf32>
    %dot_general3A_61 = arith.constant dense<0.000000e+00> : vector<1x1024xf32>
    %dot_general3A_62 = tpu.matmul %broadcast_in_dim3A_60, %add3A_47, %dot_general3A_61 {dimension_numbers = #tpu.dot_dimension_numbers<[1], [1], [0], [0], [0, 0, 1, 0], [], []>, precision = #tpu.contract_precision<fp32>, transpose_lhs_hint = false} : vector<1x1xf32>, vector<1024x1xf32>, vector<1x1024xf32> -> vector<1x1024xf32>
    %broadcast_in_dim3A_63 = arith.constant 1.000000e+00 : f32
    %broadcast_in_dim3A_64 = vector.broadcast %broadcast_in_dim3A_63 : f32 to vector<1x1xf32>
    %dot_general3A_65 = arith.constant dense<0.000000e+00> : vector<1x1024xf32>
    %dot_general3A_66 = tpu.matmul %broadcast_in_dim3A_64, %add3A_48, %dot_general3A_65 {dimension_numbers = #tpu.dot_dimension_numbers<[1], [1], [0], [0], [0, 0, 1, 0], [], []>, precision = #tpu.contract_precision<fp32>, transpose_lhs_hint = false} : vector<1x1xf32>, vector<1024x1xf32>, vector<1x1024xf32> -> vector<1x1024xf32>
    %broadcast_in_dim3A_67 = arith.constant 1.000000e+00 : f32
    %broadcast_in_dim3A_68 = vector.broadcast %broadcast_in_dim3A_67 : f32 to vector<1x1xf32>
    %dot_general3A_69 = arith.constant dense<0.000000e+00> : vector<1x1024xf32>
    %dot_general3A_70 = tpu.matmul %broadcast_in_dim3A_68, %add3A_49, %dot_general3A_69 {dimension_numbers = #tpu.dot_dimension_numbers<[1], [1], [0], [0], [0, 0, 1, 0], [], []>, precision = #tpu.contract_precision<fp32>, transpose_lhs_hint = false} : vector<1x1xf32>, vector<1024x1xf32>, vector<1x1024xf32> -> vector<1x1024xf32>
    %broadcast_in_dim3A_71 = arith.constant 1.000000e+00 : f32
    %broadcast_in_dim3A_72 = vector.broadcast %broadcast_in_dim3A_71 : f32 to vector<1x1xf32>
    %dot_general3A_73 = arith.constant dense<0.000000e+00> : vector<1x1024xf32>
    %dot_general3A_74 = tpu.matmul %broadcast_in_dim3A_72, %mul3A_55, %dot_general3A_73 {dimension_numbers = #tpu.dot_dimension_numbers<[1], [1], [0], [0], [0, 0, 1, 0], [], []>, precision = #tpu.contract_precision<fp32>, transpose_lhs_hint = false} : vector<1x1xf32>, vector<1024x1xf32>, vector<1x1024xf32> -> vector<1x1024xf32>
    %iota3A_75 = tpu.iota {dimensions = array<i32: 1>} : vector<1x1024xi32>
    %slice3A_76 = vector.extract_strided_slice %add3A {offsets = [0, 0], sizes = [128, 1], strides = [1, 1]} : vector<1024x1xf32> to vector<128x1xf32>
    %max3A_77 = vector.broadcast %slice3A_76 : vector<128x1xf32> to vector<128x1024xf32>
    %max3A_78 = vector.broadcast %dot_general3A_58 : vector<1x1024xf32> to vector<128x1024xf32>
    %max3A_79 = arith.maximumf %max3A_77, %max3A_78 : vector<128x1024xf32>
    %slice3A_80 = vector.extract_strided_slice %add3A_47 {offsets = [0, 0], sizes = [128, 1], strides = [1, 1]} : vector<1024x1xf32> to vector<128x1xf32>
    %max3A_81 = vector.broadcast %slice3A_80 : vector<128x1xf32> to vector<128x1024xf32>
    %max3A_82 = vector.broadcast %dot_general3A_62 : vector<1x1024xf32> to vector<128x1024xf32>
    %max3A_83 = arith.maximumf %max3A_81, %max3A_82 : vector<128x1024xf32>
    %slice3A_84 = vector.extract_strided_slice %add3A_48 {offsets = [0, 0], sizes = [128, 1], strides = [1, 1]} : vector<1024x1xf32> to vector<128x1xf32>
    %min3A = vector.broadcast %slice3A_84 : vector<128x1xf32> to vector<128x1024xf32>
    %min3A_85 = vector.broadcast %dot_general3A_66 : vector<1x1024xf32> to vector<128x1024xf32>
    %min3A_86 = arith.minimumf %min3A, %min3A_85 : vector<128x1024xf32>
    %slice3A_87 = vector.extract_strided_slice %add3A_49 {offsets = [0, 0], sizes = [128, 1], strides = [1, 1]} : vector<1024x1xf32> to vector<128x1xf32>
    %min3A_88 = vector.broadcast %slice3A_87 : vector<128x1xf32> to vector<128x1024xf32>
    %min3A_89 = vector.broadcast %dot_general3A_70 : vector<1x1024xf32> to vector<128x1024xf32>
    %min3A_90 = arith.minimumf %min3A_88, %min3A_89 : vector<128x1024xf32>
    %sub3A_91 = arith.subf %min3A_86, %max3A_79 : vector<128x1024xf32>
    %jit3A_92 = arith.constant 0.000000e+00 : f32
    %max3A_93 = vector.broadcast %jit3A_92 : f32 to vector<128x1024xf32>
    %max3A_94 = arith.maximumf %max3A_93, %sub3A_91 : vector<128x1024xf32>
    %sub3A_95 = arith.subf %min3A_90, %max3A_83 : vector<128x1024xf32>
    %jit3A_96 = arith.constant 0.000000e+00 : f32
    %max3A_97 = vector.broadcast %jit3A_96 : f32 to vector<128x1024xf32>
    %max3A_98 = arith.maximumf %max3A_97, %sub3A_95 : vector<128x1024xf32>
    %mul3A_99 = arith.mulf %max3A_94, %max3A_98 : vector<128x1024xf32>
    %slice3A_100 = vector.extract_strided_slice %mul3A_55 {offsets = [0, 0], sizes = [128, 1], strides = [1, 1]} : vector<1024x1xf32> to vector<128x1xf32>
    %add3A_101 = vector.broadcast %slice3A_100 : vector<128x1xf32> to vector<128x1024xf32>
    %add3A_102 = vector.broadcast %dot_general3A_74 : vector<1x1024xf32> to vector<128x1024xf32>
    %add3A_103 = arith.addf %add3A_101, %add3A_102 : vector<128x1024xf32>
    %sub3A_104 = arith.subf %add3A_103, %mul3A_99 : vector<128x1024xf32>
    %add3A_105 = arith.constant 9.99999971E-10 : f32
    %add3A_106 = vector.broadcast %add3A_105 : f32 to vector<128x1024xf32>
    %add3A_107 = arith.addf %sub3A_104, %add3A_106 : vector<128x1024xf32>
    %div3A = arith.divf %mul3A_99, %add3A_107 : vector<128x1024xf32>
    %iota3A_108 = tpu.iota {dimensions = array<i32: 0>} : vector<128x1xi32>
    %add3A_109 = arith.constant 0 : i32
    %add3A_110 = vector.broadcast %add3A_109 : i32 to vector<128x1xi32>
    %add3A_111 = arith.addi %iota3A_108, %add3A_110 : vector<128x1xi32>
    %gt3A_112 = arith.constant 6.000000e-01 : f32
    %gt3A_113 = vector.broadcast %gt3A_112 : f32 to vector<128x1024xf32>
    %gt3A_114 = arith.cmpf ogt, %div3A, %gt3A_113 : vector<128x1024xf32>
    %gt3A_115 = vector.broadcast %iota3A_75 : vector<1x1024xi32> to vector<128x1024xi32>
    %gt3A_116 = vector.broadcast %add3A_111 : vector<128x1xi32> to vector<128x1024xi32>
    %gt3A_117 = arith.cmpi sgt, %gt3A_115, %gt3A_116 : vector<128x1024xi32>
    %and3A_118 = arith.andi %gt3A_114, %gt3A_117 : vector<128x1024xi1>
    %convert_element_type3A_119 = arith.extui %and3A_118 : vector<128x1024xi1> to vector<128x1024xi32>
    %convert_element_type3A_120 = arith.sitofp %convert_element_type3A_119 : vector<128x1024xi32> to vector<128x1024xf32>
    %swap3A = arith.constant 0 : index
    %swap3A_121 = arith.constant 0 : index
    %swap3A_122 = vector.load %arg6[%swap3A, %swap3A_121] : memref<1024x1024xf32, #tpu.memory_space<vmem>>, vector<128x1024xf32>
    tpu.vector_store %arg6[%swap3A, %swap3A_121], %convert_element_type3A_120 {strides = array<i32>} : memref<1024x1024xf32, #tpu.memory_space<vmem>>, vector<128x1024xf32>,
    %slice3A_123 = vector.extract_strided_slice %add3A {offsets = [128, 0], sizes = [128, 1], strides = [1, 1]} : vector<1024x1xf32> to vector<128x1xf32>
    %max3A_124 = vector.broadcast %slice3A_123 : vector<128x1xf32> to vector<128x1024xf32>
    %max3A_125 = vector.broadcast %dot_general3A_58 : vector<1x1024xf32> to vector<128x1024xf32>
    %max3A_126 = arith.maximumf %max3A_124, %max3A_125 : vector<128x1024xf32>
    %slice3A_127 = vector.extract_strided_slice %add3A_47 {offsets = [128, 0], sizes = [128, 1], strides = [1, 1]} : vector<1024x1xf32> to vector<128x1xf32>
    %max3A_128 = vector.broadcast %slice3A_127 : vector<128x1xf32> to vector<128x1024xf32>
    %max3A_129 = vector.broadcast %dot_general3A_62 : vector<1x1024xf32> to vector<128x1024xf32>
    %max3A_130 = arith.maximumf %max3A_128, %max3A_129 : vector<128x1024xf32>
    %slice3A_131 = vector.extract_strided_slice %add3A_48 {offsets = [128, 0], sizes = [128, 1], strides = [1, 1]} : vector<1024x1xf32> to vector<128x1xf32>
    %min3A_132 = vector.broadcast %slice3A_131 : vector<128x1xf32> to vector<128x1024xf32>
    %min3A_133 = vector.broadcast %dot_general3A_66 : vector<1x1024xf32> to vector<128x1024xf32>
    %min3A_134 = arith.minimumf %min3A_132, %min3A_133 : vector<128x1024xf32>
    %slice3A_135 = vector.extract_strided_slice %add3A_49 {offsets = [128, 0], sizes = [128, 1], strides = [1, 1]} : vector<1024x1xf32> to vector<128x1xf32>
    %min3A_136 = vector.broadcast %slice3A_135 : vector<128x1xf32> to vector<128x1024xf32>
    %min3A_137 = vector.broadcast %dot_general3A_70 : vector<1x1024xf32> to vector<128x1024xf32>
    %min3A_138 = arith.minimumf %min3A_136, %min3A_137 : vector<128x1024xf32>
    %sub3A_139 = arith.subf %min3A_134, %max3A_126 : vector<128x1024xf32>
    %jit3A_140 = arith.constant 0.000000e+00 : f32
    %max3A_141 = vector.broadcast %jit3A_140 : f32 to vector<128x1024xf32>
    %max3A_142 = arith.maximumf %max3A_141, %sub3A_139 : vector<128x1024xf32>
    %sub3A_143 = arith.subf %min3A_138, %max3A_130 : vector<128x1024xf32>
    %jit3A_144 = arith.constant 0.000000e+00 : f32
    %max3A_145 = vector.broadcast %jit3A_144 : f32 to vector<128x1024xf32>
    %max3A_146 = arith.maximumf %max3A_145, %sub3A_143 : vector<128x1024xf32>
    %mul3A_147 = arith.mulf %max3A_142, %max3A_146 : vector<128x1024xf32>
    %slice3A_148 = vector.extract_strided_slice %mul3A_55 {offsets = [128, 0], sizes = [128, 1], strides = [1, 1]} : vector<1024x1xf32> to vector<128x1xf32>
    %add3A_149 = vector.broadcast %slice3A_148 : vector<128x1xf32> to vector<128x1024xf32>
    %add3A_150 = vector.broadcast %dot_general3A_74 : vector<1x1024xf32> to vector<128x1024xf32>
    %add3A_151 = arith.addf %add3A_149, %add3A_150 : vector<128x1024xf32>
    %sub3A_152 = arith.subf %add3A_151, %mul3A_147 : vector<128x1024xf32>
    %add3A_153 = arith.constant 9.99999971E-10 : f32
    %add3A_154 = vector.broadcast %add3A_153 : f32 to vector<128x1024xf32>
    %add3A_155 = arith.addf %sub3A_152, %add3A_154 : vector<128x1024xf32>
    %div3A_156 = arith.divf %mul3A_147, %add3A_155 : vector<128x1024xf32>
    %iota3A_157 = tpu.iota {dimensions = array<i32: 0>} : vector<128x1xi32>
    %add3A_158 = arith.constant 128 : i32
    %add3A_159 = vector.broadcast %add3A_158 : i32 to vector<128x1xi32>
    %add3A_160 = arith.addi %iota3A_157, %add3A_159 : vector<128x1xi32>
    %gt3A_161 = arith.constant 6.000000e-01 : f32
    %gt3A_162 = vector.broadcast %gt3A_161 : f32 to vector<128x1024xf32>
    %gt3A_163 = arith.cmpf ogt, %div3A_156, %gt3A_162 : vector<128x1024xf32>
    %gt3A_164 = vector.broadcast %iota3A_75 : vector<1x1024xi32> to vector<128x1024xi32>
    %gt3A_165 = vector.broadcast %add3A_160 : vector<128x1xi32> to vector<128x1024xi32>
    %gt3A_166 = arith.cmpi sgt, %gt3A_164, %gt3A_165 : vector<128x1024xi32>
    %and3A_167 = arith.andi %gt3A_163, %gt3A_166 : vector<128x1024xi1>
    %convert_element_type3A_168 = arith.extui %and3A_167 : vector<128x1024xi1> to vector<128x1024xi32>
    %convert_element_type3A_169 = arith.sitofp %convert_element_type3A_168 : vector<128x1024xi32> to vector<128x1024xf32>
    %swap3A_170 = arith.constant 128 : index
    %swap3A_171 = arith.constant 0 : index
    %swap3A_172 = vector.load %arg6[%swap3A_170, %swap3A_171] : memref<1024x1024xf32, #tpu.memory_space<vmem>>, vector<128x1024xf32>
    tpu.vector_store %arg6[%swap3A_170, %swap3A_171], %convert_element_type3A_169 {strides = array<i32>} : memref<1024x1024xf32, #tpu.memory_space<vmem>>, vector<128x1024xf32>,
    %slice3A_173 = vector.extract_strided_slice %add3A {offsets = [256, 0], sizes = [128, 1], strides = [1, 1]} : vector<1024x1xf32> to vector<128x1xf32>
    %max3A_174 = vector.broadcast %slice3A_173 : vector<128x1xf32> to vector<128x1024xf32>
    %max3A_175 = vector.broadcast %dot_general3A_58 : vector<1x1024xf32> to vector<128x1024xf32>
    %max3A_176 = arith.maximumf %max3A_174, %max3A_175 : vector<128x1024xf32>
    %slice3A_177 = vector.extract_strided_slice %add3A_47 {offsets = [256, 0], sizes = [128, 1], strides = [1, 1]} : vector<1024x1xf32> to vector<128x1xf32>
    %max3A_178 = vector.broadcast %slice3A_177 : vector<128x1xf32> to vector<128x1024xf32>
    %max3A_179 = vector.broadcast %dot_general3A_62 : vector<1x1024xf32> to vector<128x1024xf32>
    %max3A_180 = arith.maximumf %max3A_178, %max3A_179 : vector<128x1024xf32>
    %slice3A_181 = vector.extract_strided_slice %add3A_48 {offsets = [256, 0], sizes = [128, 1], strides = [1, 1]} : vector<1024x1xf32> to vector<128x1xf32>
    %min3A_182 = vector.broadcast %slice3A_181 : vector<128x1xf32> to vector<128x1024xf32>
    %min3A_183 = vector.broadcast %dot_general3A_66 : vector<1x1024xf32> to vector<128x1024xf32>
    %min3A_184 = arith.minimumf %min3A_182, %min3A_183 : vector<128x1024xf32>
    %slice3A_185 = vector.extract_strided_slice %add3A_49 {offsets = [256, 0], sizes = [128, 1], strides = [1, 1]} : vector<1024x1xf32> to vector<128x1xf32>
    %min3A_186 = vector.broadcast %slice3A_185 : vector<128x1xf32> to vector<128x1024xf32>
    %min3A_187 = vector.broadcast %dot_general3A_70 : vector<1x1024xf32> to vector<128x1024xf32>
    %min3A_188 = arith.minimumf %min3A_186, %min3A_187 : vector<128x1024xf32>
    %sub3A_189 = arith.subf %min3A_184, %max3A_176 : vector<128x1024xf32>
    %jit3A_190 = arith.constant 0.000000e+00 : f32
    %max3A_191 = vector.broadcast %jit3A_190 : f32 to vector<128x1024xf32>
    %max3A_192 = arith.maximumf %max3A_191, %sub3A_189 : vector<128x1024xf32>
    %sub3A_193 = arith.subf %min3A_188, %max3A_180 : vector<128x1024xf32>
    %jit3A_194 = arith.constant 0.000000e+00 : f32
    %max3A_195 = vector.broadcast %jit3A_194 : f32 to vector<128x1024xf32>
    %max3A_196 = arith.maximumf %max3A_195, %sub3A_193 : vector<128x1024xf32>
    %mul3A_197 = arith.mulf %max3A_192, %max3A_196 : vector<128x1024xf32>
    %slice3A_198 = vector.extract_strided_slice %mul3A_55 {offsets = [256, 0], sizes = [128, 1], strides = [1, 1]} : vector<1024x1xf32> to vector<128x1xf32>
    %add3A_199 = vector.broadcast %slice3A_198 : vector<128x1xf32> to vector<128x1024xf32>
    %add3A_200 = vector.broadcast %dot_general3A_74 : vector<1x1024xf32> to vector<128x1024xf32>
    %add3A_201 = arith.addf %add3A_199, %add3A_200 : vector<128x1024xf32>
    %sub3A_202 = arith.subf %add3A_201, %mul3A_197 : vector<128x1024xf32>
    %add3A_203 = arith.constant 9.99999971E-10 : f32
    %add3A_204 = vector.broadcast %add3A_203 : f32 to vector<128x1024xf32>
    %add3A_205 = arith.addf %sub3A_202, %add3A_204 : vector<128x1024xf32>
    %div3A_206 = arith.divf %mul3A_197, %add3A_205 : vector<128x1024xf32>
    %iota3A_207 = tpu.iota {dimensions = array<i32: 0>} : vector<128x1xi32>
    %add3A_208 = arith.constant 256 : i32
    %add3A_209 = vector.broadcast %add3A_208 : i32 to vector<128x1xi32>
    %add3A_210 = arith.addi %iota3A_207, %add3A_209 : vector<128x1xi32>
    %gt3A_211 = arith.constant 6.000000e-01 : f32
    %gt3A_212 = vector.broadcast %gt3A_211 : f32 to vector<128x1024xf32>
    %gt3A_213 = arith.cmpf ogt, %div3A_206, %gt3A_212 : vector<128x1024xf32>
    %gt3A_214 = vector.broadcast %iota3A_75 : vector<1x1024xi32> to vector<128x1024xi32>
    %gt3A_215 = vector.broadcast %add3A_210 : vector<128x1xi32> to vector<128x1024xi32>
    %gt3A_216 = arith.cmpi sgt, %gt3A_214, %gt3A_215 : vector<128x1024xi32>
    %and3A_217 = arith.andi %gt3A_213, %gt3A_216 : vector<128x1024xi1>
    %convert_element_type3A_218 = arith.extui %and3A_217 : vector<128x1024xi1> to vector<128x1024xi32>
    %convert_element_type3A_219 = arith.sitofp %convert_element_type3A_218 : vector<128x1024xi32> to vector<128x1024xf32>
    %swap3A_220 = arith.constant 256 : index
    %swap3A_221 = arith.constant 0 : index
    %swap3A_222 = vector.load %arg6[%swap3A_220, %swap3A_221] : memref<1024x1024xf32, #tpu.memory_space<vmem>>, vector<128x1024xf32>
    tpu.vector_store %arg6[%swap3A_220, %swap3A_221], %convert_element_type3A_219 {strides = array<i32>} : memref<1024x1024xf32, #tpu.memory_space<vmem>>, vector<128x1024xf32>,
    %slice3A_223 = vector.extract_strided_slice %add3A {offsets = [384, 0], sizes = [128, 1], strides = [1, 1]} : vector<1024x1xf32> to vector<128x1xf32>
    %max3A_224 = vector.broadcast %slice3A_223 : vector<128x1xf32> to vector<128x1024xf32>
    %max3A_225 = vector.broadcast %dot_general3A_58 : vector<1x1024xf32> to vector<128x1024xf32>
    %max3A_226 = arith.maximumf %max3A_224, %max3A_225 : vector<128x1024xf32>
    %slice3A_227 = vector.extract_strided_slice %add3A_47 {offsets = [384, 0], sizes = [128, 1], strides = [1, 1]} : vector<1024x1xf32> to vector<128x1xf32>
    %max3A_228 = vector.broadcast %slice3A_227 : vector<128x1xf32> to vector<128x1024xf32>
    %max3A_229 = vector.broadcast %dot_general3A_62 : vector<1x1024xf32> to vector<128x1024xf32>
    %max3A_230 = arith.maximumf %max3A_228, %max3A_229 : vector<128x1024xf32>
    %slice3A_231 = vector.extract_strided_slice %add3A_48 {offsets = [384, 0], sizes = [128, 1], strides = [1, 1]} : vector<1024x1xf32> to vector<128x1xf32>
    %min3A_232 = vector.broadcast %slice3A_231 : vector<128x1xf32> to vector<128x1024xf32>
    %min3A_233 = vector.broadcast %dot_general3A_66 : vector<1x1024xf32> to vector<128x1024xf32>
    %min3A_234 = arith.minimumf %min3A_232, %min3A_233 : vector<128x1024xf32>
    %slice3A_235 = vector.extract_strided_slice %add3A_49 {offsets = [384, 0], sizes = [128, 1], strides = [1, 1]} : vector<1024x1xf32> to vector<128x1xf32>
    %min3A_236 = vector.broadcast %slice3A_235 : vector<128x1xf32> to vector<128x1024xf32>
    %min3A_237 = vector.broadcast %dot_general3A_70 : vector<1x1024xf32> to vector<128x1024xf32>
    %min3A_238 = arith.minimumf %min3A_236, %min3A_237 : vector<128x1024xf32>
    %sub3A_239 = arith.subf %min3A_234, %max3A_226 : vector<128x1024xf32>
    %jit3A_240 = arith.constant 0.000000e+00 : f32
    %max3A_241 = vector.broadcast %jit3A_240 : f32 to vector<128x1024xf32>
    %max3A_242 = arith.maximumf %max3A_241, %sub3A_239 : vector<128x1024xf32>
    %sub3A_243 = arith.subf %min3A_238, %max3A_230 : vector<128x1024xf32>
    %jit3A_244 = arith.constant 0.000000e+00 : f32
    %max3A_245 = vector.broadcast %jit3A_244 : f32 to vector<128x1024xf32>
    %max3A_246 = arith.maximumf %max3A_245, %sub3A_243 : vector<128x1024xf32>
    %mul3A_247 = arith.mulf %max3A_242, %max3A_246 : vector<128x1024xf32>
    %slice3A_248 = vector.extract_strided_slice %mul3A_55 {offsets = [384, 0], sizes = [128, 1], strides = [1, 1]} : vector<1024x1xf32> to vector<128x1xf32>
    %add3A_249 = vector.broadcast %slice3A_248 : vector<128x1xf32> to vector<128x1024xf32>
    %add3A_250 = vector.broadcast %dot_general3A_74 : vector<1x1024xf32> to vector<128x1024xf32>
    %add3A_251 = arith.addf %add3A_249, %add3A_250 : vector<128x1024xf32>
    %sub3A_252 = arith.subf %add3A_251, %mul3A_247 : vector<128x1024xf32>
    %add3A_253 = arith.constant 9.99999971E-10 : f32
    %add3A_254 = vector.broadcast %add3A_253 : f32 to vector<128x1024xf32>
    %add3A_255 = arith.addf %sub3A_252, %add3A_254 : vector<128x1024xf32>
    %div3A_256 = arith.divf %mul3A_247, %add3A_255 : vector<128x1024xf32>
    %iota3A_257 = tpu.iota {dimensions = array<i32: 0>} : vector<128x1xi32>
    %add3A_258 = arith.constant 384 : i32
    %add3A_259 = vector.broadcast %add3A_258 : i32 to vector<128x1xi32>
    %add3A_260 = arith.addi %iota3A_257, %add3A_259 : vector<128x1xi32>
    %gt3A_261 = arith.constant 6.000000e-01 : f32
    %gt3A_262 = vector.broadcast %gt3A_261 : f32 to vector<128x1024xf32>
    %gt3A_263 = arith.cmpf ogt, %div3A_256, %gt3A_262 : vector<128x1024xf32>
    %gt3A_264 = vector.broadcast %iota3A_75 : vector<1x1024xi32> to vector<128x1024xi32>
    %gt3A_265 = vector.broadcast %add3A_260 : vector<128x1xi32> to vector<128x1024xi32>
    %gt3A_266 = arith.cmpi sgt, %gt3A_264, %gt3A_265 : vector<128x1024xi32>
    %and3A_267 = arith.andi %gt3A_263, %gt3A_266 : vector<128x1024xi1>
    %convert_element_type3A_268 = arith.extui %and3A_267 : vector<128x1024xi1> to vector<128x1024xi32>
    %convert_element_type3A_269 = arith.sitofp %convert_element_type3A_268 : vector<128x1024xi32> to vector<128x1024xf32>
    %swap3A_270 = arith.constant 384 : index
    %swap3A_271 = arith.constant 0 : index
    %swap3A_272 = vector.load %arg6[%swap3A_270, %swap3A_271] : memref<1024x1024xf32, #tpu.memory_space<vmem>>, vector<128x1024xf32>
    tpu.vector_store %arg6[%swap3A_270, %swap3A_271], %convert_element_type3A_269 {strides = array<i32>} : memref<1024x1024xf32, #tpu.memory_space<vmem>>, vector<128x1024xf32>,
    %slice3A_273 = vector.extract_strided_slice %add3A {offsets = [512, 0], sizes = [128, 1], strides = [1, 1]} : vector<1024x1xf32> to vector<128x1xf32>
    %max3A_274 = vector.broadcast %slice3A_273 : vector<128x1xf32> to vector<128x1024xf32>
    %max3A_275 = vector.broadcast %dot_general3A_58 : vector<1x1024xf32> to vector<128x1024xf32>
    %max3A_276 = arith.maximumf %max3A_274, %max3A_275 : vector<128x1024xf32>
    %slice3A_277 = vector.extract_strided_slice %add3A_47 {offsets = [512, 0], sizes = [128, 1], strides = [1, 1]} : vector<1024x1xf32> to vector<128x1xf32>
    %max3A_278 = vector.broadcast %slice3A_277 : vector<128x1xf32> to vector<128x1024xf32>
    %max3A_279 = vector.broadcast %dot_general3A_62 : vector<1x1024xf32> to vector<128x1024xf32>
    %max3A_280 = arith.maximumf %max3A_278, %max3A_279 : vector<128x1024xf32>
    %slice3A_281 = vector.extract_strided_slice %add3A_48 {offsets = [512, 0], sizes = [128, 1], strides = [1, 1]} : vector<1024x1xf32> to vector<128x1xf32>
    %min3A_282 = vector.broadcast %slice3A_281 : vector<128x1xf32> to vector<128x1024xf32>
    %min3A_283 = vector.broadcast %dot_general3A_66 : vector<1x1024xf32> to vector<128x1024xf32>
    %min3A_284 = arith.minimumf %min3A_282, %min3A_283 : vector<128x1024xf32>
    %slice3A_285 = vector.extract_strided_slice %add3A_49 {offsets = [512, 0], sizes = [128, 1], strides = [1, 1]} : vector<1024x1xf32> to vector<128x1xf32>
    %min3A_286 = vector.broadcast %slice3A_285 : vector<128x1xf32> to vector<128x1024xf32>
    %min3A_287 = vector.broadcast %dot_general3A_70 : vector<1x1024xf32> to vector<128x1024xf32>
    %min3A_288 = arith.minimumf %min3A_286, %min3A_287 : vector<128x1024xf32>
    %sub3A_289 = arith.subf %min3A_284, %max3A_276 : vector<128x1024xf32>
    %jit3A_290 = arith.constant 0.000000e+00 : f32
    %max3A_291 = vector.broadcast %jit3A_290 : f32 to vector<128x1024xf32>
    %max3A_292 = arith.maximumf %max3A_291, %sub3A_289 : vector<128x1024xf32>
    %sub3A_293 = arith.subf %min3A_288, %max3A_280 : vector<128x1024xf32>
    %jit3A_294 = arith.constant 0.000000e+00 : f32
    %max3A_295 = vector.broadcast %jit3A_294 : f32 to vector<128x1024xf32>
    %max3A_296 = arith.maximumf %max3A_295, %sub3A_293 : vector<128x1024xf32>
    %mul3A_297 = arith.mulf %max3A_292, %max3A_296 : vector<128x1024xf32>
    %slice3A_298 = vector.extract_strided_slice %mul3A_55 {offsets = [512, 0], sizes = [128, 1], strides = [1, 1]} : vector<1024x1xf32> to vector<128x1xf32>
    %add3A_299 = vector.broadcast %slice3A_298 : vector<128x1xf32> to vector<128x1024xf32>
    %add3A_300 = vector.broadcast %dot_general3A_74 : vector<1x1024xf32> to vector<128x1024xf32>
    %add3A_301 = arith.addf %add3A_299, %add3A_300 : vector<128x1024xf32>
    %sub3A_302 = arith.subf %add3A_301, %mul3A_297 : vector<128x1024xf32>
    %add3A_303 = arith.constant 9.99999971E-10 : f32
    %add3A_304 = vector.broadcast %add3A_303 : f32 to vector<128x1024xf32>
    %add3A_305 = arith.addf %sub3A_302, %add3A_304 : vector<128x1024xf32>
    %div3A_306 = arith.divf %mul3A_297, %add3A_305 : vector<128x1024xf32>
    %iota3A_307 = tpu.iota {dimensions = array<i32: 0>} : vector<128x1xi32>
    %add3A_308 = arith.constant 512 : i32
    %add3A_309 = vector.broadcast %add3A_308 : i32 to vector<128x1xi32>
    %add3A_310 = arith.addi %iota3A_307, %add3A_309 : vector<128x1xi32>
    %gt3A_311 = arith.constant 6.000000e-01 : f32
    %gt3A_312 = vector.broadcast %gt3A_311 : f32 to vector<128x1024xf32>
    %gt3A_313 = arith.cmpf ogt, %div3A_306, %gt3A_312 : vector<128x1024xf32>
    %gt3A_314 = vector.broadcast %iota3A_75 : vector<1x1024xi32> to vector<128x1024xi32>
    %gt3A_315 = vector.broadcast %add3A_310 : vector<128x1xi32> to vector<128x1024xi32>
    %gt3A_316 = arith.cmpi sgt, %gt3A_314, %gt3A_315 : vector<128x1024xi32>
    %and3A_317 = arith.andi %gt3A_313, %gt3A_316 : vector<128x1024xi1>
    %convert_element_type3A_318 = arith.extui %and3A_317 : vector<128x1024xi1> to vector<128x1024xi32>
    %convert_element_type3A_319 = arith.sitofp %convert_element_type3A_318 : vector<128x1024xi32> to vector<128x1024xf32>
    %swap3A_320 = arith.constant 512 : index
    %swap3A_321 = arith.constant 0 : index
    %swap3A_322 = vector.load %arg6[%swap3A_320, %swap3A_321] : memref<1024x1024xf32, #tpu.memory_space<vmem>>, vector<128x1024xf32>
    tpu.vector_store %arg6[%swap3A_320, %swap3A_321], %convert_element_type3A_319 {strides = array<i32>} : memref<1024x1024xf32, #tpu.memory_space<vmem>>, vector<128x1024xf32>,
    %slice3A_323 = vector.extract_strided_slice %add3A {offsets = [640, 0], sizes = [128, 1], strides = [1, 1]} : vector<1024x1xf32> to vector<128x1xf32>
    %max3A_324 = vector.broadcast %slice3A_323 : vector<128x1xf32> to vector<128x1024xf32>
    %max3A_325 = vector.broadcast %dot_general3A_58 : vector<1x1024xf32> to vector<128x1024xf32>
    %max3A_326 = arith.maximumf %max3A_324, %max3A_325 : vector<128x1024xf32>
    %slice3A_327 = vector.extract_strided_slice %add3A_47 {offsets = [640, 0], sizes = [128, 1], strides = [1, 1]} : vector<1024x1xf32> to vector<128x1xf32>
    %max3A_328 = vector.broadcast %slice3A_327 : vector<128x1xf32> to vector<128x1024xf32>
    %max3A_329 = vector.broadcast %dot_general3A_62 : vector<1x1024xf32> to vector<128x1024xf32>
    %max3A_330 = arith.maximumf %max3A_328, %max3A_329 : vector<128x1024xf32>
    %slice3A_331 = vector.extract_strided_slice %add3A_48 {offsets = [640, 0], sizes = [128, 1], strides = [1, 1]} : vector<1024x1xf32> to vector<128x1xf32>
    %min3A_332 = vector.broadcast %slice3A_331 : vector<128x1xf32> to vector<128x1024xf32>
    %min3A_333 = vector.broadcast %dot_general3A_66 : vector<1x1024xf32> to vector<128x1024xf32>
    %min3A_334 = arith.minimumf %min3A_332, %min3A_333 : vector<128x1024xf32>
    %slice3A_335 = vector.extract_strided_slice %add3A_49 {offsets = [640, 0], sizes = [128, 1], strides = [1, 1]} : vector<1024x1xf32> to vector<128x1xf32>
    %min3A_336 = vector.broadcast %slice3A_335 : vector<128x1xf32> to vector<128x1024xf32>
    %min3A_337 = vector.broadcast %dot_general3A_70 : vector<1x1024xf32> to vector<128x1024xf32>
    %min3A_338 = arith.minimumf %min3A_336, %min3A_337 : vector<128x1024xf32>
    %sub3A_339 = arith.subf %min3A_334, %max3A_326 : vector<128x1024xf32>
    %jit3A_340 = arith.constant 0.000000e+00 : f32
    %max3A_341 = vector.broadcast %jit3A_340 : f32 to vector<128x1024xf32>
    %max3A_342 = arith.maximumf %max3A_341, %sub3A_339 : vector<128x1024xf32>
    %sub3A_343 = arith.subf %min3A_338, %max3A_330 : vector<128x1024xf32>
    %jit3A_344 = arith.constant 0.000000e+00 : f32
    %max3A_345 = vector.broadcast %jit3A_344 : f32 to vector<128x1024xf32>
    %max3A_346 = arith.maximumf %max3A_345, %sub3A_343 : vector<128x1024xf32>
    %mul3A_347 = arith.mulf %max3A_342, %max3A_346 : vector<128x1024xf32>
    %slice3A_348 = vector.extract_strided_slice %mul3A_55 {offsets = [640, 0], sizes = [128, 1], strides = [1, 1]} : vector<1024x1xf32> to vector<128x1xf32>
    %add3A_349 = vector.broadcast %slice3A_348 : vector<128x1xf32> to vector<128x1024xf32>
    %add3A_350 = vector.broadcast %dot_general3A_74 : vector<1x1024xf32> to vector<128x1024xf32>
    %add3A_351 = arith.addf %add3A_349, %add3A_350 : vector<128x1024xf32>
    %sub3A_352 = arith.subf %add3A_351, %mul3A_347 : vector<128x1024xf32>
    %add3A_353 = arith.constant 9.99999971E-10 : f32
    %add3A_354 = vector.broadcast %add3A_353 : f32 to vector<128x1024xf32>
    %add3A_355 = arith.addf %sub3A_352, %add3A_354 : vector<128x1024xf32>
    %div3A_356 = arith.divf %mul3A_347, %add3A_355 : vector<128x1024xf32>
    %iota3A_357 = tpu.iota {dimensions = array<i32: 0>} : vector<128x1xi32>
    %add3A_358 = arith.constant 640 : i32
    %add3A_359 = vector.broadcast %add3A_358 : i32 to vector<128x1xi32>
    %add3A_360 = arith.addi %iota3A_357, %add3A_359 : vector<128x1xi32>
    %gt3A_361 = arith.constant 6.000000e-01 : f32
    %gt3A_362 = vector.broadcast %gt3A_361 : f32 to vector<128x1024xf32>
    %gt3A_363 = arith.cmpf ogt, %div3A_356, %gt3A_362 : vector<128x1024xf32>
    %gt3A_364 = vector.broadcast %iota3A_75 : vector<1x1024xi32> to vector<128x1024xi32>
    %gt3A_365 = vector.broadcast %add3A_360 : vector<128x1xi32> to vector<128x1024xi32>
    %gt3A_366 = arith.cmpi sgt, %gt3A_364, %gt3A_365 : vector<128x1024xi32>
    %and3A_367 = arith.andi %gt3A_363, %gt3A_366 : vector<128x1024xi1>
    %convert_element_type3A_368 = arith.extui %and3A_367 : vector<128x1024xi1> to vector<128x1024xi32>
    %convert_element_type3A_369 = arith.sitofp %convert_element_type3A_368 : vector<128x1024xi32> to vector<128x1024xf32>
    %swap3A_370 = arith.constant 640 : index
    %swap3A_371 = arith.constant 0 : index
    %swap3A_372 = vector.load %arg6[%swap3A_370, %swap3A_371] : memref<1024x1024xf32, #tpu.memory_space<vmem>>, vector<128x1024xf32>
    tpu.vector_store %arg6[%swap3A_370, %swap3A_371], %convert_element_type3A_369 {strides = array<i32>} : memref<1024x1024xf32, #tpu.memory_space<vmem>>, vector<128x1024xf32>,
    %slice3A_373 = vector.extract_strided_slice %add3A {offsets = [768, 0], sizes = [128, 1], strides = [1, 1]} : vector<1024x1xf32> to vector<128x1xf32>
    %max3A_374 = vector.broadcast %slice3A_373 : vector<128x1xf32> to vector<128x1024xf32>
    %max3A_375 = vector.broadcast %dot_general3A_58 : vector<1x1024xf32> to vector<128x1024xf32>
    %max3A_376 = arith.maximumf %max3A_374, %max3A_375 : vector<128x1024xf32>
    %slice3A_377 = vector.extract_strided_slice %add3A_47 {offsets = [768, 0], sizes = [128, 1], strides = [1, 1]} : vector<1024x1xf32> to vector<128x1xf32>
    %max3A_378 = vector.broadcast %slice3A_377 : vector<128x1xf32> to vector<128x1024xf32>
    %max3A_379 = vector.broadcast %dot_general3A_62 : vector<1x1024xf32> to vector<128x1024xf32>
    %max3A_380 = arith.maximumf %max3A_378, %max3A_379 : vector<128x1024xf32>
    %slice3A_381 = vector.extract_strided_slice %add3A_48 {offsets = [768, 0], sizes = [128, 1], strides = [1, 1]} : vector<1024x1xf32> to vector<128x1xf32>
    %min3A_382 = vector.broadcast %slice3A_381 : vector<128x1xf32> to vector<128x1024xf32>
    %min3A_383 = vector.broadcast %dot_general3A_66 : vector<1x1024xf32> to vector<128x1024xf32>
    %min3A_384 = arith.minimumf %min3A_382, %min3A_383 : vector<128x1024xf32>
    %slice3A_385 = vector.extract_strided_slice %add3A_49 {offsets = [768, 0], sizes = [128, 1], strides = [1, 1]} : vector<1024x1xf32> to vector<128x1xf32>
    %min3A_386 = vector.broadcast %slice3A_385 : vector<128x1xf32> to vector<128x1024xf32>
    %min3A_387 = vector.broadcast %dot_general3A_70 : vector<1x1024xf32> to vector<128x1024xf32>
    %min3A_388 = arith.minimumf %min3A_386, %min3A_387 : vector<128x1024xf32>
    %sub3A_389 = arith.subf %min3A_384, %max3A_376 : vector<128x1024xf32>
    %jit3A_390 = arith.constant 0.000000e+00 : f32
    %max3A_391 = vector.broadcast %jit3A_390 : f32 to vector<128x1024xf32>
    %max3A_392 = arith.maximumf %max3A_391, %sub3A_389 : vector<128x1024xf32>
    %sub3A_393 = arith.subf %min3A_388, %max3A_380 : vector<128x1024xf32>
    %jit3A_394 = arith.constant 0.000000e+00 : f32
    %max3A_395 = vector.broadcast %jit3A_394 : f32 to vector<128x1024xf32>
    %max3A_396 = arith.maximumf %max3A_395, %sub3A_393 : vector<128x1024xf32>
    %mul3A_397 = arith.mulf %max3A_392, %max3A_396 : vector<128x1024xf32>
    %slice3A_398 = vector.extract_strided_slice %mul3A_55 {offsets = [768, 0], sizes = [128, 1], strides = [1, 1]} : vector<1024x1xf32> to vector<128x1xf32>
    %add3A_399 = vector.broadcast %slice3A_398 : vector<128x1xf32> to vector<128x1024xf32>
    %add3A_400 = vector.broadcast %dot_general3A_74 : vector<1x1024xf32> to vector<128x1024xf32>
    %add3A_401 = arith.addf %add3A_399, %add3A_400 : vector<128x1024xf32>
    %sub3A_402 = arith.subf %add3A_401, %mul3A_397 : vector<128x1024xf32>
    %add3A_403 = arith.constant 9.99999971E-10 : f32
    %add3A_404 = vector.broadcast %add3A_403 : f32 to vector<128x1024xf32>
    %add3A_405 = arith.addf %sub3A_402, %add3A_404 : vector<128x1024xf32>
    %div3A_406 = arith.divf %mul3A_397, %add3A_405 : vector<128x1024xf32>
    %iota3A_407 = tpu.iota {dimensions = array<i32: 0>} : vector<128x1xi32>
    %add3A_408 = arith.constant 768 : i32
    %add3A_409 = vector.broadcast %add3A_408 : i32 to vector<128x1xi32>
    %add3A_410 = arith.addi %iota3A_407, %add3A_409 : vector<128x1xi32>
    %gt3A_411 = arith.constant 6.000000e-01 : f32
    %gt3A_412 = vector.broadcast %gt3A_411 : f32 to vector<128x1024xf32>
    %gt3A_413 = arith.cmpf ogt, %div3A_406, %gt3A_412 : vector<128x1024xf32>
    %gt3A_414 = vector.broadcast %iota3A_75 : vector<1x1024xi32> to vector<128x1024xi32>
    %gt3A_415 = vector.broadcast %add3A_410 : vector<128x1xi32> to vector<128x1024xi32>
    %gt3A_416 = arith.cmpi sgt, %gt3A_414, %gt3A_415 : vector<128x1024xi32>
    %and3A_417 = arith.andi %gt3A_413, %gt3A_416 : vector<128x1024xi1>
    %convert_element_type3A_418 = arith.extui %and3A_417 : vector<128x1024xi1> to vector<128x1024xi32>
    %convert_element_type3A_419 = arith.sitofp %convert_element_type3A_418 : vector<128x1024xi32> to vector<128x1024xf32>
    %swap3A_420 = arith.constant 768 : index
    %swap3A_421 = arith.constant 0 : index
    %swap3A_422 = vector.load %arg6[%swap3A_420, %swap3A_421] : memref<1024x1024xf32, #tpu.memory_space<vmem>>, vector<128x1024xf32>
    tpu.vector_store %arg6[%swap3A_420, %swap3A_421], %convert_element_type3A_419 {strides = array<i32>} : memref<1024x1024xf32, #tpu.memory_space<vmem>>, vector<128x1024xf32>,
    %slice3A_423 = vector.extract_strided_slice %add3A {offsets = [896, 0], sizes = [128, 1], strides = [1, 1]} : vector<1024x1xf32> to vector<128x1xf32>
    %max3A_424 = vector.broadcast %slice3A_423 : vector<128x1xf32> to vector<128x1024xf32>
    %max3A_425 = vector.broadcast %dot_general3A_58 : vector<1x1024xf32> to vector<128x1024xf32>
    %max3A_426 = arith.maximumf %max3A_424, %max3A_425 : vector<128x1024xf32>
    %slice3A_427 = vector.extract_strided_slice %add3A_47 {offsets = [896, 0], sizes = [128, 1], strides = [1, 1]} : vector<1024x1xf32> to vector<128x1xf32>
    %max3A_428 = vector.broadcast %slice3A_427 : vector<128x1xf32> to vector<128x1024xf32>
    %max3A_429 = vector.broadcast %dot_general3A_62 : vector<1x1024xf32> to vector<128x1024xf32>
    %max3A_430 = arith.maximumf %max3A_428, %max3A_429 : vector<128x1024xf32>
    %slice3A_431 = vector.extract_strided_slice %add3A_48 {offsets = [896, 0], sizes = [128, 1], strides = [1, 1]} : vector<1024x1xf32> to vector<128x1xf32>
    %min3A_432 = vector.broadcast %slice3A_431 : vector<128x1xf32> to vector<128x1024xf32>
    %min3A_433 = vector.broadcast %dot_general3A_66 : vector<1x1024xf32> to vector<128x1024xf32>
    %min3A_434 = arith.minimumf %min3A_432, %min3A_433 : vector<128x1024xf32>
    %slice3A_435 = vector.extract_strided_slice %add3A_49 {offsets = [896, 0], sizes = [128, 1], strides = [1, 1]} : vector<1024x1xf32> to vector<128x1xf32>
    %min3A_436 = vector.broadcast %slice3A_435 : vector<128x1xf32> to vector<128x1024xf32>
    %min3A_437 = vector.broadcast %dot_general3A_70 : vector<1x1024xf32> to vector<128x1024xf32>
    %min3A_438 = arith.minimumf %min3A_436, %min3A_437 : vector<128x1024xf32>
    %sub3A_439 = arith.subf %min3A_434, %max3A_426 : vector<128x1024xf32>
    %jit3A_440 = arith.constant 0.000000e+00 : f32
    %max3A_441 = vector.broadcast %jit3A_440 : f32 to vector<128x1024xf32>
    %max3A_442 = arith.maximumf %max3A_441, %sub3A_439 : vector<128x1024xf32>
    %sub3A_443 = arith.subf %min3A_438, %max3A_430 : vector<128x1024xf32>
    %jit3A_444 = arith.constant 0.000000e+00 : f32
    %max3A_445 = vector.broadcast %jit3A_444 : f32 to vector<128x1024xf32>
    %max3A_446 = arith.maximumf %max3A_445, %sub3A_443 : vector<128x1024xf32>
    %mul3A_447 = arith.mulf %max3A_442, %max3A_446 : vector<128x1024xf32>
    %slice3A_448 = vector.extract_strided_slice %mul3A_55 {offsets = [896, 0], sizes = [128, 1], strides = [1, 1]} : vector<1024x1xf32> to vector<128x1xf32>
    %add3A_449 = vector.broadcast %slice3A_448 : vector<128x1xf32> to vector<128x1024xf32>
    %add3A_450 = vector.broadcast %dot_general3A_74 : vector<1x1024xf32> to vector<128x1024xf32>
    %add3A_451 = arith.addf %add3A_449, %add3A_450 : vector<128x1024xf32>
    %sub3A_452 = arith.subf %add3A_451, %mul3A_447 : vector<128x1024xf32>
    %add3A_453 = arith.constant 9.99999971E-10 : f32
    %add3A_454 = vector.broadcast %add3A_453 : f32 to vector<128x1024xf32>
    %add3A_455 = arith.addf %sub3A_452, %add3A_454 : vector<128x1024xf32>
    %div3A_456 = arith.divf %mul3A_447, %add3A_455 : vector<128x1024xf32>
    %iota3A_457 = tpu.iota {dimensions = array<i32: 0>} : vector<128x1xi32>
    %add3A_458 = arith.constant 896 : i32
    %add3A_459 = vector.broadcast %add3A_458 : i32 to vector<128x1xi32>
    %add3A_460 = arith.addi %iota3A_457, %add3A_459 : vector<128x1xi32>
    %gt3A_461 = arith.constant 6.000000e-01 : f32
    %gt3A_462 = vector.broadcast %gt3A_461 : f32 to vector<128x1024xf32>
    %gt3A_463 = arith.cmpf ogt, %div3A_456, %gt3A_462 : vector<128x1024xf32>
    %gt3A_464 = vector.broadcast %iota3A_75 : vector<1x1024xi32> to vector<128x1024xi32>
    %gt3A_465 = vector.broadcast %add3A_460 : vector<128x1xi32> to vector<128x1024xi32>
    %gt3A_466 = arith.cmpi sgt, %gt3A_464, %gt3A_465 : vector<128x1024xi32>
    %and3A_467 = arith.andi %gt3A_463, %gt3A_466 : vector<128x1024xi1>
    %convert_element_type3A_468 = arith.extui %and3A_467 : vector<128x1024xi1> to vector<128x1024xi32>
    %convert_element_type3A_469 = arith.sitofp %convert_element_type3A_468 : vector<128x1024xi32> to vector<128x1024xf32>
    %swap3A_470 = arith.constant 896 : index
    %swap3A_471 = arith.constant 0 : index
    %swap3A_472 = vector.load %arg6[%swap3A_470, %swap3A_471] : memref<1024x1024xf32, #tpu.memory_space<vmem>>, vector<128x1024xf32>
    tpu.vector_store %arg6[%swap3A_470, %swap3A_471], %convert_element_type3A_469 {strides = array<i32>} : memref<1024x1024xf32, #tpu.memory_space<vmem>>, vector<128x1024xf32>,
    %get3A_473 = arith.constant 0 : index
    %get3A_474 = arith.constant 0 : index
    %get3A_475 = vector.load %arg6[%get3A_473, %get3A_474] : memref<1024x1024xf32, #tpu.memory_space<vmem>>, vector<1024x1024xf32>
    %while3A = arith.constant true
    %while3A_476:2 = scf.while (%while3A_677 = %convert_element_type3A_44, %while3A_678 = %while3A) : (vector<1024x1xf32>, i1) -> (vector<1024x1xf32>, i1) {
      scf.condition(%while3A_678) %while3A_677, %while3A_678 : vector<1024x1xf32>, i1
    } do {
    ^bb0(%while3A_677: vector<1024x1xf32>, %while3A_678: i1):
      %dot_general3A_679 = arith.constant dense<0.000000e+00> : vector<1024x1xf32>
      %dot_general3A_680 = tpu.matmul %get3A_475, %while3A_677, %dot_general3A_679 {dimension_numbers = #tpu.dot_dimension_numbers<[0], [0], [1], [1], [0, 1, 1, 1], [], []>, precision = #tpu.contract_precision<fp32>, transpose_lhs_hint = false} : vector<1024x1024xf32>, vector<1024x1xf32>, vector<1024x1xf32> -> vector<1024x1xf32>
      %lt3A_681 = arith.constant 5.000000e-01 : f32
      %lt3A_682 = vector.broadcast %lt3A_681 : f32 to vector<1024x1xf32>
      %lt3A_683 = arith.cmpf olt, %dot_general3A_680, %lt3A_682 : vector<1024x1xf32>
      %gt3A_684 = arith.constant 0.000000e+00 : f32
      %gt3A_685 = vector.broadcast %gt3A_684 : f32 to vector<1024x1xf32>
      %gt3A_686 = arith.cmpf ogt, %convert_element_type3A_44, %gt3A_685 : vector<1024x1xf32>
      %and3A_687 = arith.andi %lt3A_683, %gt3A_686 : vector<1024x1xi1>
      %jit3A_688 = arith.constant 1.000000e+00 : f32
      %jit3A_689 = arith.constant 0.000000e+00 : f32
      %broadcast_in_dim3A_690 = vector.broadcast %jit3A_688 : f32 to vector<1024x1xf32>
      %broadcast_in_dim3A_691 = vector.broadcast %jit3A_689 : f32 to vector<1024x1xf32>
      %select_n3A = arith.select %and3A_687, %broadcast_in_dim3A_690, %broadcast_in_dim3A_691 : vector<1024x1xi1>, vector<1024x1xf32>
      %ne3A = arith.cmpf one, %select_n3A, %while3A_677 : vector<1024x1xf32>
      %reduce_or3A = arith.constant 1.000000e+00 : f32
      %reduce_or3A_692 = arith.constant 0.000000e+00 : f32
      %reduce_or3A_693 = vector.broadcast %reduce_or3A : f32 to vector<1024x1xf32>
      %reduce_or3A_694 = vector.broadcast %reduce_or3A_692 : f32 to vector<1024x1xf32>
      %reduce_or3A_695 = arith.select %ne3A, %reduce_or3A_693, %reduce_or3A_694 : vector<1024x1xi1>, vector<1024x1xf32>
      %reduce_or3A_696 = vector.shape_cast %reduce_or3A_695 : vector<1024x1xf32> to vector<1x1024x1xf32>
      %reduce_or3A_697 = arith.constant dense<0xFF800000> : vector<1xf32>
      %reduce_or3A_698 = vector.multi_reduction <maximumf>, %reduce_or3A_696, %reduce_or3A_697 [1, 2] : vector<1x1024x1xf32> to vector<1xf32>
      %reduce_or3A_699 = vector.shape_cast %reduce_or3A_698 : vector<1xf32> to vector<1x1x1xf32>
      %reduce_or3A_700 = vector.extract %reduce_or3A_699[0, 0, 0] : f32 from vector<1x1x1xf32>
      %reduce_or3A_701 = arith.constant 0.000000e+00 : f32
      %reduce_or3A_702 = arith.cmpf ogt, %reduce_or3A_700, %reduce_or3A_701 : f32
      scf.yield %select_n3A, %reduce_or3A_702 : vector<1024x1xf32>, i1
    }
    %broadcast_in_dim3A_477 = arith.constant 0.000000e+00 : f32
    %broadcast_in_dim3A_478 = vector.broadcast %broadcast_in_dim3A_477 : f32 to vector<1x1xf32>
    %slice3A_479 = vector.extract_strided_slice %while3A_476#0 {offsets = [0, 0], sizes = [1023, 1], strides = [1, 1]} : vector<1024x1xf32> to vector<1023x1xf32>
    %concatenate3A_480 = tpu.concatenate %broadcast_in_dim3A_478, %slice3A_479 in 0 : vector<1x1xf32>, vector<1023x1xf32> -> vector<1024x1xf32>
    %add3A_481 = arith.addf %while3A_476#0, %concatenate3A_480 : vector<1024x1xf32>
    %broadcast_in_dim3A_482 = arith.constant 0.000000e+00 : f32
    %broadcast_in_dim3A_483 = vector.broadcast %broadcast_in_dim3A_482 : f32 to vector<2x1xf32>
    %slice3A_484 = vector.extract_strided_slice %add3A_481 {offsets = [0, 0], sizes = [1022, 1], strides = [1, 1]} : vector<1024x1xf32> to vector<1022x1xf32>
    %concatenate3A_485 = tpu.concatenate %broadcast_in_dim3A_483, %slice3A_484 in 0 : vector<2x1xf32>, vector<1022x1xf32> -> vector<1024x1xf32>
    %add3A_486 = arith.addf %add3A_481, %concatenate3A_485 : vector<1024x1xf32>
    %broadcast_in_dim3A_487 = arith.constant 0.000000e+00 : f32
    %broadcast_in_dim3A_488 = vector.broadcast %broadcast_in_dim3A_487 : f32 to vector<4x1xf32>
    %slice3A_489 = vector.extract_strided_slice %add3A_486 {offsets = [0, 0], sizes = [1020, 1], strides = [1, 1]} : vector<1024x1xf32> to vector<1020x1xf32>
    %concatenate3A_490 = tpu.concatenate %broadcast_in_dim3A_488, %slice3A_489 in 0 : vector<4x1xf32>, vector<1020x1xf32> -> vector<1024x1xf32>
    %add3A_491 = arith.addf %add3A_486, %concatenate3A_490 : vector<1024x1xf32>
    %broadcast_in_dim3A_492 = arith.constant 0.000000e+00 : f32
    %broadcast_in_dim3A_493 = vector.broadcast %broadcast_in_dim3A_492 : f32 to vector<8x1xf32>
    %slice3A_494 = vector.extract_strided_slice %add3A_491 {offsets = [0, 0], sizes = [1016, 1], strides = [1, 1]} : vector<1024x1xf32> to vector<1016x1xf32>
    %concatenate3A_495 = tpu.concatenate %broadcast_in_dim3A_493, %slice3A_494 in 0 : vector<8x1xf32>, vector<1016x1xf32> -> vector<1024x1xf32>
    %add3A_496 = arith.addf %add3A_491, %concatenate3A_495 : vector<1024x1xf32>
    %broadcast_in_dim3A_497 = arith.constant 0.000000e+00 : f32
    %broadcast_in_dim3A_498 = vector.broadcast %broadcast_in_dim3A_497 : f32 to vector<16x1xf32>
    %slice3A_499 = vector.extract_strided_slice %add3A_496 {offsets = [0, 0], sizes = [1008, 1], strides = [1, 1]} : vector<1024x1xf32> to vector<1008x1xf32>
    %concatenate3A_500 = tpu.concatenate %broadcast_in_dim3A_498, %slice3A_499 in 0 : vector<16x1xf32>, vector<1008x1xf32> -> vector<1024x1xf32>
    %add3A_501 = arith.addf %add3A_496, %concatenate3A_500 : vector<1024x1xf32>
    %broadcast_in_dim3A_502 = arith.constant 0.000000e+00 : f32
    %broadcast_in_dim3A_503 = vector.broadcast %broadcast_in_dim3A_502 : f32 to vector<32x1xf32>
    %slice3A_504 = vector.extract_strided_slice %add3A_501 {offsets = [0, 0], sizes = [992, 1], strides = [1, 1]} : vector<1024x1xf32> to vector<992x1xf32>
    %concatenate3A_505 = tpu.concatenate %broadcast_in_dim3A_503, %slice3A_504 in 0 : vector<32x1xf32>, vector<992x1xf32> -> vector<1024x1xf32>
    %add3A_506 = arith.addf %add3A_501, %concatenate3A_505 : vector<1024x1xf32>
    %broadcast_in_dim3A_507 = arith.constant 0.000000e+00 : f32
    %broadcast_in_dim3A_508 = vector.broadcast %broadcast_in_dim3A_507 : f32 to vector<64x1xf32>
    %slice3A_509 = vector.extract_strided_slice %add3A_506 {offsets = [0, 0], sizes = [960, 1], strides = [1, 1]} : vector<1024x1xf32> to vector<960x1xf32>
    %concatenate3A_510 = tpu.concatenate %broadcast_in_dim3A_508, %slice3A_509 in 0 : vector<64x1xf32>, vector<960x1xf32> -> vector<1024x1xf32>
    %add3A_511 = arith.addf %add3A_506, %concatenate3A_510 : vector<1024x1xf32>
    %broadcast_in_dim3A_512 = arith.constant 0.000000e+00 : f32
    %broadcast_in_dim3A_513 = vector.broadcast %broadcast_in_dim3A_512 : f32 to vector<128x1xf32>
    %slice3A_514 = vector.extract_strided_slice %add3A_511 {offsets = [0, 0], sizes = [896, 1], strides = [1, 1]} : vector<1024x1xf32> to vector<896x1xf32>
    %concatenate3A_515 = tpu.concatenate %broadcast_in_dim3A_513, %slice3A_514 in 0 : vector<128x1xf32>, vector<896x1xf32> -> vector<1024x1xf32>
    %add3A_516 = arith.addf %add3A_511, %concatenate3A_515 : vector<1024x1xf32>
    %broadcast_in_dim3A_517 = arith.constant 0.000000e+00 : f32
    %broadcast_in_dim3A_518 = vector.broadcast %broadcast_in_dim3A_517 : f32 to vector<256x1xf32>
    %slice3A_519 = vector.extract_strided_slice %add3A_516 {offsets = [0, 0], sizes = [768, 1], strides = [1, 1]} : vector<1024x1xf32> to vector<768x1xf32>
    %concatenate3A_520 = tpu.concatenate %broadcast_in_dim3A_518, %slice3A_519 in 0 : vector<256x1xf32>, vector<768x1xf32> -> vector<1024x1xf32>
    %add3A_521 = arith.addf %add3A_516, %concatenate3A_520 : vector<1024x1xf32>
    %broadcast_in_dim3A_522 = arith.constant 0.000000e+00 : f32
    %broadcast_in_dim3A_523 = vector.broadcast %broadcast_in_dim3A_522 : f32 to vector<512x1xf32>
    %slice3A_524 = vector.extract_strided_slice %add3A_521 {offsets = [0, 0], sizes = [512, 1], strides = [1, 1]} : vector<1024x1xf32> to vector<512x1xf32>
    %concatenate3A_525 = tpu.concatenate %broadcast_in_dim3A_523, %slice3A_524 in 0 : vector<512x1xf32>, vector<512x1xf32> -> vector<1024x1xf32>
    %add3A_526 = arith.addf %add3A_521, %concatenate3A_525 : vector<1024x1xf32>
    %sub3A_527 = arith.subf %add3A_526, %while3A_476#0 : vector<1024x1xf32>
    %jit3A_528 = arith.constant 0.000000e+00 : f32
    %jit3A_529 = arith.constant 5.120000e+02 : f32
    %max3A_530 = vector.broadcast %jit3A_528 : f32 to vector<1024x1xf32>
    %max3A_531 = arith.maximumf %max3A_530, %concatenate3A : vector<1024x1xf32>
    %min3A_532 = vector.broadcast %jit3A_529 : f32 to vector<1024x1xf32>
    %min3A_533 = arith.minimumf %min3A_532, %max3A_531 : vector<1024x1xf32>
    %jit3A_534 = arith.constant 0.000000e+00 : f32
    %jit3A_535 = arith.constant 5.120000e+02 : f32
    %max3A_536 = vector.broadcast %jit3A_534 : f32 to vector<1024x1xf32>
    %max3A_537 = arith.maximumf %max3A_536, %concatenate3A_11 : vector<1024x1xf32>
    %min3A_538 = vector.broadcast %jit3A_535 : f32 to vector<1024x1xf32>
    %min3A_539 = arith.minimumf %min3A_538, %max3A_537 : vector<1024x1xf32>
    %jit3A_540 = arith.constant 0.000000e+00 : f32
    %jit3A_541 = arith.constant 5.120000e+02 : f32
    %max3A_542 = vector.broadcast %jit3A_540 : f32 to vector<1024x1xf32>
    %max3A_543 = arith.maximumf %max3A_542, %concatenate3A_18 : vector<1024x1xf32>
    %min3A_544 = vector.broadcast %jit3A_541 : f32 to vector<1024x1xf32>
    %min3A_545 = arith.minimumf %min3A_544, %max3A_543 : vector<1024x1xf32>
    %jit3A_546 = arith.constant 0.000000e+00 : f32
    %jit3A_547 = arith.constant 5.120000e+02 : f32
    %max3A_548 = vector.broadcast %jit3A_546 : f32 to vector<1024x1xf32>
    %max3A_549 = arith.maximumf %max3A_548, %concatenate3A_25 : vector<1024x1xf32>
    %min3A_550 = vector.broadcast %jit3A_547 : f32 to vector<1024x1xf32>
    %min3A_551 = arith.minimumf %min3A_550, %max3A_549 : vector<1024x1xf32>
    %broadcast_in_dim3A_552 = arith.constant 0.000000e+00 : f32
    %broadcast_in_dim3A_553 = vector.broadcast %broadcast_in_dim3A_552 : f32 to vector<1024x2xf32>
    %concatenate3A_554 = tpu.concatenate %min3A_533, %min3A_539, %min3A_545, %min3A_551, %concatenate3A_31, %concatenate3A_37, %broadcast_in_dim3A_553 in 1 : vector<1024x1xf32>, vector<1024x1xf32>, vector<1024x1xf32>, vector<1024x1xf32>, vector<1024x1xf32>, vector<1024x1xf32>, vector<1024x2xf32> -> vector<1024x8xf32>
    %broadcast_in_dim3A_555 = arith.constant 0.000000e+00 : f32
    %broadcast_in_dim3A_556 = vector.broadcast %broadcast_in_dim3A_555 : f32 to vector<1024x8xf32>
    %slice3A_557 = vector.extract_strided_slice %sub3A_527 {offsets = [0, 0], sizes = [128, 1], strides = [1, 1]} : vector<1024x1xf32> to vector<128x1xf32>
    %eq3A = vector.broadcast %slice3A_557 : vector<128x1xf32> to vector<128x1024xf32>
    %eq3A_558 = vector.broadcast %convert_element_type3A : vector<1x1024xf32> to vector<128x1024xf32>
    %eq3A_559 = arith.cmpf oeq, %eq3A, %eq3A_558 : vector<128x1024xf32>
    %convert_element_type3A_560 = arith.extui %eq3A_559 : vector<128x1024xi1> to vector<128x1024xi32>
    %convert_element_type3A_561 = arith.sitofp %convert_element_type3A_560 : vector<128x1024xi32> to vector<128x1024xf32>
    %slice3A_562 = vector.extract_strided_slice %while3A_476#0 {offsets = [0, 0], sizes = [128, 1], strides = [1, 1]} : vector<1024x1xf32> to vector<128x1xf32>
    %mul3A_563 = vector.broadcast %slice3A_562 : vector<128x1xf32> to vector<128x1024xf32>
    %mul3A_564 = arith.mulf %convert_element_type3A_561, %mul3A_563 : vector<128x1024xf32>
    %slice3A_565 = vector.extract_strided_slice %concatenate3A_554 {offsets = [0, 0], sizes = [128, 8], strides = [1, 1]} : vector<1024x8xf32> to vector<128x8xf32>
    %dot_general3A_566 = arith.constant dense<0.000000e+00> : vector<1024x8xf32>
    %dot_general3A_567 = tpu.matmul %mul3A_564, %slice3A_565, %dot_general3A_566 {dimension_numbers = #tpu.dot_dimension_numbers<[0], [0], [1], [1], [0, 1, 1, 1], [], []>, precision = #tpu.contract_precision<fp32>, transpose_lhs_hint = false} : vector<128x1024xf32>, vector<128x8xf32>, vector<1024x8xf32> -> vector<1024x8xf32>
    %add3A_568 = arith.addf %broadcast_in_dim3A_556, %dot_general3A_567 : vector<1024x8xf32>
    %slice3A_569 = vector.extract_strided_slice %sub3A_527 {offsets = [128, 0], sizes = [128, 1], strides = [1, 1]} : vector<1024x1xf32> to vector<128x1xf32>
    %eq3A_570 = vector.broadcast %slice3A_569 : vector<128x1xf32> to vector<128x1024xf32>
    %eq3A_571 = vector.broadcast %convert_element_type3A : vector<1x1024xf32> to vector<128x1024xf32>
    %eq3A_572 = arith.cmpf oeq, %eq3A_570, %eq3A_571 : vector<128x1024xf32>
    %convert_element_type3A_573 = arith.extui %eq3A_572 : vector<128x1024xi1> to vector<128x1024xi32>
    %convert_element_type3A_574 = arith.sitofp %convert_element_type3A_573 : vector<128x1024xi32> to vector<128x1024xf32>
    %slice3A_575 = vector.extract_strided_slice %while3A_476#0 {offsets = [128, 0], sizes = [128, 1], strides = [1, 1]} : vector<1024x1xf32> to vector<128x1xf32>
    %mul3A_576 = vector.broadcast %slice3A_575 : vector<128x1xf32> to vector<128x1024xf32>
    %mul3A_577 = arith.mulf %convert_element_type3A_574, %mul3A_576 : vector<128x1024xf32>
    %slice3A_578 = vector.extract_strided_slice %concatenate3A_554 {offsets = [128, 0], sizes = [128, 8], strides = [1, 1]} : vector<1024x8xf32> to vector<128x8xf32>
    %dot_general3A_579 = arith.constant dense<0.000000e+00> : vector<1024x8xf32>
    %dot_general3A_580 = tpu.matmul %mul3A_577, %slice3A_578, %dot_general3A_579 {dimension_numbers = #tpu.dot_dimension_numbers<[0], [0], [1], [1], [0, 1, 1, 1], [], []>, precision = #tpu.contract_precision<fp32>, transpose_lhs_hint = false} : vector<128x1024xf32>, vector<128x8xf32>, vector<1024x8xf32> -> vector<1024x8xf32>
    %add3A_581 = arith.addf %add3A_568, %dot_general3A_580 : vector<1024x8xf32>
    %slice3A_582 = vector.extract_strided_slice %sub3A_527 {offsets = [256, 0], sizes = [128, 1], strides = [1, 1]} : vector<1024x1xf32> to vector<128x1xf32>
    %eq3A_583 = vector.broadcast %slice3A_582 : vector<128x1xf32> to vector<128x1024xf32>
    %eq3A_584 = vector.broadcast %convert_element_type3A : vector<1x1024xf32> to vector<128x1024xf32>
    %eq3A_585 = arith.cmpf oeq, %eq3A_583, %eq3A_584 : vector<128x1024xf32>
    %convert_element_type3A_586 = arith.extui %eq3A_585 : vector<128x1024xi1> to vector<128x1024xi32>
    %convert_element_type3A_587 = arith.sitofp %convert_element_type3A_586 : vector<128x1024xi32> to vector<128x1024xf32>
    %slice3A_588 = vector.extract_strided_slice %while3A_476#0 {offsets = [256, 0], sizes = [128, 1], strides = [1, 1]} : vector<1024x1xf32> to vector<128x1xf32>
    %mul3A_589 = vector.broadcast %slice3A_588 : vector<128x1xf32> to vector<128x1024xf32>
    %mul3A_590 = arith.mulf %convert_element_type3A_587, %mul3A_589 : vector<128x1024xf32>
    %slice3A_591 = vector.extract_strided_slice %concatenate3A_554 {offsets = [256, 0], sizes = [128, 8], strides = [1, 1]} : vector<1024x8xf32> to vector<128x8xf32>
    %dot_general3A_592 = arith.constant dense<0.000000e+00> : vector<1024x8xf32>
    %dot_general3A_593 = tpu.matmul %mul3A_590, %slice3A_591, %dot_general3A_592 {dimension_numbers = #tpu.dot_dimension_numbers<[0], [0], [1], [1], [0, 1, 1, 1], [], []>, precision = #tpu.contract_precision<fp32>, transpose_lhs_hint = false} : vector<128x1024xf32>, vector<128x8xf32>, vector<1024x8xf32> -> vector<1024x8xf32>
    %add3A_594 = arith.addf %add3A_581, %dot_general3A_593 : vector<1024x8xf32>
    %slice3A_595 = vector.extract_strided_slice %sub3A_527 {offsets = [384, 0], sizes = [128, 1], strides = [1, 1]} : vector<1024x1xf32> to vector<128x1xf32>
    %eq3A_596 = vector.broadcast %slice3A_595 : vector<128x1xf32> to vector<128x1024xf32>
    %eq3A_597 = vector.broadcast %convert_element_type3A : vector<1x1024xf32> to vector<128x1024xf32>
    %eq3A_598 = arith.cmpf oeq, %eq3A_596, %eq3A_597 : vector<128x1024xf32>
    %convert_element_type3A_599 = arith.extui %eq3A_598 : vector<128x1024xi1> to vector<128x1024xi32>
    %convert_element_type3A_600 = arith.sitofp %convert_element_type3A_599 : vector<128x1024xi32> to vector<128x1024xf32>
    %slice3A_601 = vector.extract_strided_slice %while3A_476#0 {offsets = [384, 0], sizes = [128, 1], strides = [1, 1]} : vector<1024x1xf32> to vector<128x1xf32>
    %mul3A_602 = vector.broadcast %slice3A_601 : vector<128x1xf32> to vector<128x1024xf32>
    %mul3A_603 = arith.mulf %convert_element_type3A_600, %mul3A_602 : vector<128x1024xf32>
    %slice3A_604 = vector.extract_strided_slice %concatenate3A_554 {offsets = [384, 0], sizes = [128, 8], strides = [1, 1]} : vector<1024x8xf32> to vector<128x8xf32>
    %dot_general3A_605 = arith.constant dense<0.000000e+00> : vector<1024x8xf32>
    %dot_general3A_606 = tpu.matmul %mul3A_603, %slice3A_604, %dot_general3A_605 {dimension_numbers = #tpu.dot_dimension_numbers<[0], [0], [1], [1], [0, 1, 1, 1], [], []>, precision = #tpu.contract_precision<fp32>, transpose_lhs_hint = false} : vector<128x1024xf32>, vector<128x8xf32>, vector<1024x8xf32> -> vector<1024x8xf32>
    %add3A_607 = arith.addf %add3A_594, %dot_general3A_606 : vector<1024x8xf32>
    %slice3A_608 = vector.extract_strided_slice %sub3A_527 {offsets = [512, 0], sizes = [128, 1], strides = [1, 1]} : vector<1024x1xf32> to vector<128x1xf32>
    %eq3A_609 = vector.broadcast %slice3A_608 : vector<128x1xf32> to vector<128x1024xf32>
    %eq3A_610 = vector.broadcast %convert_element_type3A : vector<1x1024xf32> to vector<128x1024xf32>
    %eq3A_611 = arith.cmpf oeq, %eq3A_609, %eq3A_610 : vector<128x1024xf32>
    %convert_element_type3A_612 = arith.extui %eq3A_611 : vector<128x1024xi1> to vector<128x1024xi32>
    %convert_element_type3A_613 = arith.sitofp %convert_element_type3A_612 : vector<128x1024xi32> to vector<128x1024xf32>
    %slice3A_614 = vector.extract_strided_slice %while3A_476#0 {offsets = [512, 0], sizes = [128, 1], strides = [1, 1]} : vector<1024x1xf32> to vector<128x1xf32>
    %mul3A_615 = vector.broadcast %slice3A_614 : vector<128x1xf32> to vector<128x1024xf32>
    %mul3A_616 = arith.mulf %convert_element_type3A_613, %mul3A_615 : vector<128x1024xf32>
    %slice3A_617 = vector.extract_strided_slice %concatenate3A_554 {offsets = [512, 0], sizes = [128, 8], strides = [1, 1]} : vector<1024x8xf32> to vector<128x8xf32>
    %dot_general3A_618 = arith.constant dense<0.000000e+00> : vector<1024x8xf32>
    %dot_general3A_619 = tpu.matmul %mul3A_616, %slice3A_617, %dot_general3A_618 {dimension_numbers = #tpu.dot_dimension_numbers<[0], [0], [1], [1], [0, 1, 1, 1], [], []>, precision = #tpu.contract_precision<fp32>, transpose_lhs_hint = false} : vector<128x1024xf32>, vector<128x8xf32>, vector<1024x8xf32> -> vector<1024x8xf32>
    %add3A_620 = arith.addf %add3A_607, %dot_general3A_619 : vector<1024x8xf32>
    %slice3A_621 = vector.extract_strided_slice %sub3A_527 {offsets = [640, 0], sizes = [128, 1], strides = [1, 1]} : vector<1024x1xf32> to vector<128x1xf32>
    %eq3A_622 = vector.broadcast %slice3A_621 : vector<128x1xf32> to vector<128x1024xf32>
    %eq3A_623 = vector.broadcast %convert_element_type3A : vector<1x1024xf32> to vector<128x1024xf32>
    %eq3A_624 = arith.cmpf oeq, %eq3A_622, %eq3A_623 : vector<128x1024xf32>
    %convert_element_type3A_625 = arith.extui %eq3A_624 : vector<128x1024xi1> to vector<128x1024xi32>
    %convert_element_type3A_626 = arith.sitofp %convert_element_type3A_625 : vector<128x1024xi32> to vector<128x1024xf32>
    %slice3A_627 = vector.extract_strided_slice %while3A_476#0 {offsets = [640, 0], sizes = [128, 1], strides = [1, 1]} : vector<1024x1xf32> to vector<128x1xf32>
    %mul3A_628 = vector.broadcast %slice3A_627 : vector<128x1xf32> to vector<128x1024xf32>
    %mul3A_629 = arith.mulf %convert_element_type3A_626, %mul3A_628 : vector<128x1024xf32>
    %slice3A_630 = vector.extract_strided_slice %concatenate3A_554 {offsets = [640, 0], sizes = [128, 8], strides = [1, 1]} : vector<1024x8xf32> to vector<128x8xf32>
    %dot_general3A_631 = arith.constant dense<0.000000e+00> : vector<1024x8xf32>
    %dot_general3A_632 = tpu.matmul %mul3A_629, %slice3A_630, %dot_general3A_631 {dimension_numbers = #tpu.dot_dimension_numbers<[0], [0], [1], [1], [0, 1, 1, 1], [], []>, precision = #tpu.contract_precision<fp32>, transpose_lhs_hint = false} : vector<128x1024xf32>, vector<128x8xf32>, vector<1024x8xf32> -> vector<1024x8xf32>
    %add3A_633 = arith.addf %add3A_620, %dot_general3A_632 : vector<1024x8xf32>
    %slice3A_634 = vector.extract_strided_slice %sub3A_527 {offsets = [768, 0], sizes = [128, 1], strides = [1, 1]} : vector<1024x1xf32> to vector<128x1xf32>
    %eq3A_635 = vector.broadcast %slice3A_634 : vector<128x1xf32> to vector<128x1024xf32>
    %eq3A_636 = vector.broadcast %convert_element_type3A : vector<1x1024xf32> to vector<128x1024xf32>
    %eq3A_637 = arith.cmpf oeq, %eq3A_635, %eq3A_636 : vector<128x1024xf32>
    %convert_element_type3A_638 = arith.extui %eq3A_637 : vector<128x1024xi1> to vector<128x1024xi32>
    %convert_element_type3A_639 = arith.sitofp %convert_element_type3A_638 : vector<128x1024xi32> to vector<128x1024xf32>
    %slice3A_640 = vector.extract_strided_slice %while3A_476#0 {offsets = [768, 0], sizes = [128, 1], strides = [1, 1]} : vector<1024x1xf32> to vector<128x1xf32>
    %mul3A_641 = vector.broadcast %slice3A_640 : vector<128x1xf32> to vector<128x1024xf32>
    %mul3A_642 = arith.mulf %convert_element_type3A_639, %mul3A_641 : vector<128x1024xf32>
    %slice3A_643 = vector.extract_strided_slice %concatenate3A_554 {offsets = [768, 0], sizes = [128, 8], strides = [1, 1]} : vector<1024x8xf32> to vector<128x8xf32>
    %dot_general3A_644 = arith.constant dense<0.000000e+00> : vector<1024x8xf32>
    %dot_general3A_645 = tpu.matmul %mul3A_642, %slice3A_643, %dot_general3A_644 {dimension_numbers = #tpu.dot_dimension_numbers<[0], [0], [1], [1], [0, 1, 1, 1], [], []>, precision = #tpu.contract_precision<fp32>, transpose_lhs_hint = false} : vector<128x1024xf32>, vector<128x8xf32>, vector<1024x8xf32> -> vector<1024x8xf32>
    %add3A_646 = arith.addf %add3A_633, %dot_general3A_645 : vector<1024x8xf32>
    %slice3A_647 = vector.extract_strided_slice %sub3A_527 {offsets = [896, 0], sizes = [128, 1], strides = [1, 1]} : vector<1024x1xf32> to vector<128x1xf32>
    %eq3A_648 = vector.broadcast %slice3A_647 : vector<128x1xf32> to vector<128x1024xf32>
    %eq3A_649 = vector.broadcast %convert_element_type3A : vector<1x1024xf32> to vector<128x1024xf32>
    %eq3A_650 = arith.cmpf oeq, %eq3A_648, %eq3A_649 : vector<128x1024xf32>
    %convert_element_type3A_651 = arith.extui %eq3A_650 : vector<128x1024xi1> to vector<128x1024xi32>
    %convert_element_type3A_652 = arith.sitofp %convert_element_type3A_651 : vector<128x1024xi32> to vector<128x1024xf32>
    %slice3A_653 = vector.extract_strided_slice %while3A_476#0 {offsets = [896, 0], sizes = [128, 1], strides = [1, 1]} : vector<1024x1xf32> to vector<128x1xf32>
    %mul3A_654 = vector.broadcast %slice3A_653 : vector<128x1xf32> to vector<128x1024xf32>
    %mul3A_655 = arith.mulf %convert_element_type3A_652, %mul3A_654 : vector<128x1024xf32>
    %slice3A_656 = vector.extract_strided_slice %concatenate3A_554 {offsets = [896, 0], sizes = [128, 8], strides = [1, 1]} : vector<1024x8xf32> to vector<128x8xf32>
    %dot_general3A_657 = arith.constant dense<0.000000e+00> : vector<1024x8xf32>
    %dot_general3A_658 = tpu.matmul %mul3A_655, %slice3A_656, %dot_general3A_657 {dimension_numbers = #tpu.dot_dimension_numbers<[0], [0], [1], [1], [0, 1, 1, 1], [], []>, precision = #tpu.contract_precision<fp32>, transpose_lhs_hint = false} : vector<128x1024xf32>, vector<128x8xf32>, vector<1024x8xf32> -> vector<1024x8xf32>
    %add3A_659 = arith.addf %add3A_646, %dot_general3A_658 : vector<1024x8xf32>
    %swap3A_660 = arith.constant 0 : index
    %swap3A_661 = arith.constant 0 : index
    %swap3A_662 = arith.constant 0 : index
    %swap3A_663 = vector.load %arg4[%swap3A_660, %swap3A_661, %swap3A_662] : memref<1x1024x8xf32, #tpu.memory_space<vmem>>, vector<1x1024x8xf32>
    %swap3A_664 = vector.shape_cast %swap3A_663 : vector<1x1024x8xf32> to vector<1024x8xf32>
    %swap3A_665 = vector.shape_cast %add3A_659 : vector<1024x8xf32> to vector<1x1024x8xf32>
    tpu.vector_store %arg4[%swap3A_660, %swap3A_661, %swap3A_662], %swap3A_665 {strides = array<i32>} : memref<1x1024x8xf32, #tpu.memory_space<vmem>>, vector<1x1024x8xf32>,
    %reduce_sum3A = vector.shape_cast %while3A_476#0 : vector<1024x1xf32> to vector<1x1024x1xf32>
    %reduce_sum3A_666 = arith.constant dense<0.000000e+00> : vector<1xf32>
    %reduce_sum3A_667 = vector.multi_reduction <add>, %reduce_sum3A, %reduce_sum3A_666 [1, 2] : vector<1x1024x1xf32> to vector<1xf32>
    %reduce_sum3A_668 = vector.shape_cast %reduce_sum3A_667 : vector<1xf32> to vector<1x1x1xf32>
    %reduce_sum3A_669 = vector.extract %reduce_sum3A_668[0, 0, 0] : f32 from vector<1x1x1xf32>
    %broadcast_in_dim3A_670 = vector.broadcast %reduce_sum3A_669 : f32 to vector<1x128xf32>
    %swap3A_671 = arith.constant 0 : index
    %swap3A_672 = arith.constant 0 : index
    %swap3A_673 = arith.constant 0 : index
    %swap3A_674 = vector.load %arg5[%swap3A_671, %swap3A_672, %swap3A_673] : memref<1x1x128xf32, #tpu.memory_space<vmem>>, vector<1x1x128xf32>
    %swap3A_675 = vector.shape_cast %swap3A_674 : vector<1x1x128xf32> to vector<1x128xf32>
    %swap3A_676 = vector.shape_cast %broadcast_in_dim3A_670 : vector<1x128xf32> to vector<1x1x128xf32>
    tpu.vector_store %arg5[%swap3A_671, %swap3A_672, %swap3A_673], %swap3A_676 {strides = array<i32>} : memref<1x1x128xf32, #tpu.memory_space<vmem>>, vector<1x1x128xf32>,
    return
  }
  func.func @transform_0(%arg0: i32) -> (i32, i32, i32) {
    %c0_i32 = arith.constant 0 : i32
    %c0_i32_0 = arith.constant 0 : i32
    %c0_i32_1 = arith.constant 0 : i32
    return %arg0, %c0_i32, %c0_i32_0 : i32, i32, i32
  }
  func.func @transform_1(%arg0: i32) -> (i32, i32, i32) {
    %c0_i32 = arith.constant 0 : i32
    %c0_i32_0 = arith.constant 0 : i32
    %c0_i32_1 = arith.constant 0 : i32
    return %arg0, %c0_i32, %c0_i32_0 : i32, i32, i32
  }
  func.func @transform_2(%arg0: i32) -> (i32, i32, i32) {
    %c0_i32 = arith.constant 0 : i32
    %c0_i32_0 = arith.constant 0 : i32
    %c0_i32_1 = arith.constant 0 : i32
    return %arg0, %c0_i32, %c0_i32_0 : i32, i32, i32
  }
  func.func @transform_3(%arg0: i32) -> (i32, i32, i32) {
    %c0_i32 = arith.constant 0 : i32
    %c0_i32_0 = arith.constant 0 : i32
    %c0_i32_1 = arith.constant 0 : i32
    return %arg0, %c0_i32, %c0_i32_0 : i32, i32, i32
  }
  func.func @transform_4(%arg0: i32) -> (i32, i32, i32) {
    %c0_i32 = arith.constant 0 : i32
    %c0_i32_0 = arith.constant 0 : i32
    %c0_i32_1 = arith.constant 0 : i32
    return %arg0, %c0_i32, %c0_i32_0 : i32, i32, i32
  }
}

</mosaic_0001>

<sc_bundles>
// kernel: gather_offload_async_start.1
scs
__scs_entry_jumppad:
0x0: {  	(pc) =	sbr.rel $0x88, $3  }
0x1: {  	(tag) =	ssettag $0x0;
	lr =	simm.s32 $0x1  }
0x2: {  	[smem:$0x3F98] =	sst lr;
	_ =	strace $0xD0000000  }
0x3: {  	_ = 	snop  }
0x4: {  	_ = 	snop  }
0x5: {  	_ = 	snop  }
0x6: {  	_ = 	snop  }
0x7: {  	_ = 	snop  }
__scs_overlays_trampoline_lowered:
0x8: {  	[smem:$0x3FA7] =	sst s0  }
0x9: {  	[smem:$0x3FA8] =	sst s1  }
0xa: {  	[smem:$0x3FA9] =	sst s2  }
0xb: {  	[smem:$0x3FAA] =	sst s3  }
0xc: {  	[smem:$0x3FAB] =	sst s4  }
0xd: {  	[smem:$0x3FAC] =	sst s5  }
0xe: {  	[smem:$0x3FAD] =	sst s6  }
0xf: {  	[smem:$0x3FAE] =	sst s7  }
0x10: {  	[smem:$0x3FAF] =	sst s8  }
0x11: {  	[smem:$0x3FB0] =	sst s9;
	s0 =	simm.s32 @!p0 $0x0  }
0x12: {  	s1 =	sld [smem:$0x3F96];
	s0 =	simm.s32 @p0 $0x1  }
0x13: {  	[smem:$0x3FB1] =	sst s0;
	s0 =	simm.s32 @!p1 $0x0  }
0x14: {  	s2 =	sld [smem:$0x3F95];
	s0 =	simm.s32 @p1 $0x1  }
0x15: {  	[smem:$0x3FB2] =	sst s0;
	s0 =	simm.s32 @!p2 $0x0  }
0x16: {  	s3 =	sld [smem:$0x3FDB];
	s0 =	simm.s32 @p2 $0x1  }
0x17: {  	s4 =	simm.s32 $0x1BF5;
	[smem:$0x3FB4] =	sst s0  }
0x18: {  	s0 =	sld [smem:$0x3F97];
	_ =	swait.ge [sflag:s4], $0x0  }
0x19: {  	s7 =	sld [smem:$0x3F98]  }
0x1a: {  	s8 =	sadd.s32 $0xFFFFE003, lr  }
0x1b: {  	s9 =	sadd.s32 $0xFFFFFEF7, lr;
	s5 =	simm.s32 $0xFFFFFFFF;
	p2 =	slt.u32 s8, $0xFFFFF086  }
0x1c: {  	p1 =	slt.u32 s9, $0xF7A;
	s5 =	simm.s32 @!p2 $0x0  }
0x1d: {  	s5 =	simm.s32 @p1 $0x1;
	p0 =	seq.s32 s7, s2  }
0x1e: {  	s7 =	smul.u32 @!p0 $0xF7A, s2;
	p2 =	seq.s32 @!p0 s5, $0x0  }
0x1f: {  	s9 =	smul.u32 $0xF7A, s1;
	s8 =	simm.s32 @!p0 $0x1BF5;
	p2 =	por !p2, p0  }
0x20: {  	[sflag:s8] =	ssyncset.s32 @!p0 $0xFFFFF086;
	s6 =	sadd.s32 @!p0 s3, s7;
	s7 =	simm.s32 @!p0 $0x108  }
0x21: {  	s3 =	sadd.s32 s3, s9;
	s6 =	sadd.s32 @!p0 $0x88, s6;
	s7 =	simm.s32 @p2 $0x1082  }
0x22: {  	[simem:s7], [sflag:s8] =	dma.local @!p0 [hbm:s6], $0xF7A  }
0x23: {  	s9 =	sor.u32 $0xD0000000, s2;
	s6 =	simm.s32 $0x108;
	_ =	swait.ge @!p0 [sflag:s8], $0x0  }
0x24: {  	s3 =	sadd.s32 $0x88, s3;
	s6 =	simm.s32 @!p1 $0x1082;
	[sflag:s4] =	ssyncset.s32 $0xFFFFF086  }
0x25: {  	[simem:s6], [sflag:s4] =	dma.local [hbm:s3], $0xF7A  }
0x26: {  	[smem:$0x3F98] =	sst s1;
	(tag) =	ssettag s2;
	_ =	strace s9  }
0x27: {  	s1 =	sld [smem:$0x3FA8]  }
0x28: {  	s2 =	sld [smem:$0x3FA9]  }
0x29: {  	s4 =	sld [smem:$0x3FAB]  }
0x2a: {  	p0 =	seq.s32 s5, $0x0;
	s5 =	sld [smem:$0x3FAC]  }
0x2b: {  	s6 =	sld [smem:$0x3FAD]  }
0x2c: {  	s7 =	sld [smem:$0x3FAE]  }
0x2d: {  	s3 =	simm.s32 $0x108;
	s8 =	sld [smem:$0x3FAF]  }
0x2e: {  	s3 =	simm.s32 @!p0 $0x1082;
	s9 =	sld [smem:$0x3FB0]  }
0x2f: {  	lr =	sadd.s32 s0, s3;
	s0 =	sld [smem:$0x3FA7]  }
0x30: {  	s3 =	sld [smem:$0x3FAA]  }
0x31: {  	[smem:$0x3FB3] =	sst s10  }
0x32: {  	s10 =	sld [smem:$0x3FB1];
	_ =	sdelay $0x3  }
0x33: {  	p0 =	seq.s32 s10, $0x1;
	s10 =	sld [smem:$0x3FB3];
	_ =	sdelay $0x3  }
0x34: {  	[smem:$0x3FB3] =	sst s10  }
0x35: {  	s10 =	sld [smem:$0x3FB2];
	_ =	sdelay $0x3  }
0x36: {  	p1 =	seq.s32 s10, $0x1;
	s10 =	sld [smem:$0x3FB3];
	_ =	sdelay $0x3  }
0x37: {  	[smem:$0x3FB3] =	sst s10  }
0x38: {  	s10 =	sld [smem:$0x3FB4]  }
0x39: {  	_ = 	snop;
	(pc) =	sbr.ind lr, $3  }
0x3a: {  	_ = 	snop  }
0x3b: {  	_ = 	snop  }
0x3c: {  	p2 =	seq.s32 s10, $0x1;
	s10 =	sld [smem:$0x3FB3]  }
0x3d: {  	_ =	shalt  }
0x3e: {  	_ =	shalt  }
0x3f: {  	_ =	shalt  }
0x40: {  	_ =	shalt  }
0x41: {  	_ =	shalt  }
0x42: {  	_ =	shalt  }
0x43: {  	_ =	shalt  }
0x44: {  	_ =	shalt  }
0x45: {  	_ =	shalt  }
0x46: {  	_ =	shalt  }
0x47: {  	_ =	shalt  }
0x48: {  	_ =	shalt  }
0x49: {  	_ =	shalt  }
0x4a: {  	_ =	shalt  }
0x4b: {  	_ =	shalt  }
0x4c: {  	_ =	shalt  }
0x4d: {  	_ =	shalt  }
0x4e: {  	_ =	shalt  }
0x4f: {  	_ =	shalt  }
0x50: {  	_ =	shalt  }
0x51: {  	_ =	shalt  }
0x52: {  	_ =	shalt  }
0x53: {  	_ =	shalt  }
0x54: {  	_ =	shalt  }
0x55: {  	_ =	shalt  }
0x56: {  	_ =	shalt  }
0x57: {  	_ =	shalt  }
0x58: {  	_ =	shalt  }
0x59: {  	_ =	shalt  }
0x5a: {  	_ =	shalt  }
0x5b: {  	_ =	shalt  }
0x5c: {  	_ =	shalt  }
0x5d: {  	_ =	shalt  }
0x5e: {  	_ =	shalt  }
0x5f: {  	_ =	shalt  }
0x60: {  	_ =	shalt  }
0x61: {  	_ =	shalt  }
0x62: {  	_ =	shalt  }
0x63: {  	_ =	shalt  }
0x64: {  	_ =	shalt  }
0x65: {  	_ =	shalt  }
0x66: {  	_ =	shalt  }
0x67: {  	_ =	shalt  }
0x68: {  	_ =	shalt  }
0x69: {  	_ =	shalt  }
0x6a: {  	_ =	shalt  }
0x6b: {  	_ =	shalt  }
0x6c: {  	_ =	shalt  }
0x6d: {  	_ =	shalt  }
0x6e: {  	_ =	shalt  }
0x6f: {  	_ =	shalt  }
0x70: {  	_ =	shalt  }
0x71: {  	_ =	shalt  }
0x72: {  	_ =	shalt  }
0x73: {  	_ =	shalt  }
0x74: {  	_ =	shalt  }
0x75: {  	_ =	shalt  }
0x76: {  	_ =	shalt  }
0x77: {  	_ =	shalt  }
0x78: {  	_ =	shalt  }
0x79: {  	_ =	shalt  }
0x7a: {  	_ =	shalt  }
0x7b: {  	_ =	shalt  }
0x7c: {  	_ =	shalt  }
0x7d: {  	_ =	shalt  }
0x7e: {  	_ =	shalt  }
0x7f: {  	_ =	shalt  }
0x80: {  	_ =	shalt  }
0x81: {  	_ =	shalt  }
0x82: {  	_ =	shalt  }
0x83: {  	_ =	shalt  }
0x84: {  	_ =	shalt  }
0x85: {  	_ =	shalt  }
0x86: {  	_ =	shalt  }
0x87: {  	_ =	shalt  }
.Lfunc_end0:
.L_simem_size_0:
called_computation.1_lowered:
.L_overlay_start_0:
0x88: {  	s2 =	sld [smem:$0x3FD9]  }
0x89: {  	s3 =	sld [smem:$0x3FFE];
	_ =	sdelay $0x1  }
0x8a: {  	s1 =	srdreg.scid  }
0x8b: {  	s0 =	sand.u32 $0x1, s1  }
0x8c: {  	s14 =	sshll.u32 s0, $0xA;
	s2 =	sadd.s32 s3, s2  }
0x8d: {  	s2 =	sadd.s32 s2, s14  }
0x8e: {  	[smem:$0x3FBF] =	sst s2  }
0x8f: {  	_ = 	snop  }
0x90: {  	s2 =	sld [smem:$0x3FD0];
	_ =	sdelay $0x2  }
0x91: {  	s15 =	simm.s32 $0xB;
	s4 =	simm.s32 $0x10  }
0x92: {  	[smem:s4], [sflag:s15] =	dma.local [hbm:s2], $0x1  }
0x93: {  	_ =	swait.eq [sflag:s15], $0x1  }
0x94: {  	[sflag:s15] =	ssyncset.done $0x0  }
0x95: {  	[sflag:s15] =	ssyncadd.s32 $0xFFFFFFFF  }
0x96: {  	s16 =	sld [smem:$0x10];
	(tm) =	ssettm $0x1  }
0x97: {  	s17 =	sld [smem:$0x3FFB];
	_ =	sdelay $0x3  }
0x98: {  	_ =	strace s17  }
0x99: {  	s3 =	sld [smem:$0x3FFC];
	_ =	sdelay $0x3  }
0x9a: {  	_ =	strace s3  }
0x9b: {  	s3 =	sld [smem:$0x3FFD];
	_ =	sdelay $0x3  }
0x9c: {  	_ =	strace s3  }
0x9d: {  	_ =	strace $0x8FFFFFFF  }
0x9e: {  	s18 =	sld [smem:$0x3FDB];
	_ =	sdelay $0x1  }
0x9f: {  	s19 =	simm.s32 $_scs_section_size  }
0xa0: {  	s5 =	simm.s32 $_size__tile_overlayer_lowered;
	s6 =	simm.s32 $_tile_overlayer_lowered  }
0xa1: {  	s22 =	simm.s32 $0x1BFF;
	s21 =	sshll.u32 s6, $0x1;
	s3 =	sadd.s32 s19, s18  }
0xa2: {  	s7 =	simm.s32 $0x0;
	s20 =	sshll.u32 s5, $0x1;
	s5 =	sadd.s32 s21, s3  }
0xa3: {  	[timem:s7], [sflag:s22] =	dma.local [hbm:s5], s20  }
0xa4: {  	_ =	swait.ge [sflag:s22], s20  }
0xa5: {  	s4 =	ssub.s32 $0x0, s20;
	[sflag:s22] =	ssyncset.done $0x0  }
0xa6: {  	[sflag:s22] =	ssyncadd.s32 s4;
	_ =	sdelay $0x1  }
0xa7: {  	s23 =	simm.s32 $0x1B8B  }
0xa8: {  	_ =	swait.ge [sflag:s23], $0x1  }
0xa9: {  	[sflag:s23] =	ssyncset.done $0x0  }
0xaa: {  	s25 =	simm.s32 $0x1B8E;
	s24 =	sld [smem:$0x3FFE];
	[sflag:s23] =	ssyncadd.s32 $0xFFFFFFFF  }
0xab: {  	s26 =	simm.s32 $execute0_lowered;
	[smem:$0x3FD2] =	sst s25  }
0xac: {  	s5 =	sshll.u32 s26, $0x1;
	_ =	strace $0x80000046;
	[dreg:$0x1] =	wrdreg $0xFFFFFFFF  }
0xad: {  	s28 =	simm.s32 $_size_execute0_lowered;
	s3 =	sadd.s32 s3, s5;
	[dreg:$0x0] =	wrdreg $0x0  }
0xae: {  	s5 =	sshll.u32 s28, $0x1;
	[dreg:$0x2] =	wrdreg s3  }
0xaf: {  	[dreg:$0x3] =	wrdreg s5  }
0xb0: {  	[dreg:$0x4] =	wrdreg $0xC0  }
0xb1: {  	_ =	task [dreg:s7], $0x5FFFF  }
0xb2: {  	[dreg:$0x1] =	wrdreg $0xFFFFFFFF  }
0xb3: {  	[dreg:$0x0] =	wrdreg $0x60  }
0xb4: {  	[dreg:$0x2] =	wrdreg s24  }
0xb5: {  	[dreg:$0x3] =	wrdreg s16  }
0xb6: {  	[dreg:$0x4] =	wrdreg $0xA  }
0xb7: {  	_ =	task.clear_ibuf [dreg:s7], $0x5FFFF;
	_ =	strace $0x90000046  }
0xb8: {  	s29 =	simm.s32 $0xA;
	_ =	strace $0x80000048  }
0xb9: {  	_ =	swait.ge [sflag:s29], $0x1  }
0xba: {  	[sflag:s29] =	ssyncadd.s32 $0xFFFFFFFF  }
0xbb: {  	_ =	strace $0x90000048  }
0xbc: {  	_ =	sfence  }
0xbd: {  	s30 =	sld [smem:$0x0];
	_ =	sdelay $0x2  }
0xbe: {  	s31 =	sshll.u32 s1, $0xD;
	s1 =	sshrl.u32 s1, $0x2  }
0xbf: {  	s3 =	sand.u32 $0x4000, s31;
	s1 =	sadd.s32 s1, s30  }
0xc0: {  	s0 =	sor.u32 s3, s0;
	s1 =	sshll.u32 s1, $0x11  }
0xc1: {  	s0 =	sor.u32 s1, s0  }
0xc2: {  	s0 =	sadd.s32 $0x8F2B, s0  }
0xc3: {  	[sflag:s0] =	ssyncadd.remote.s32 $0x1  }
0xc4: {  	_ =	sfence.sel $0xFFFF  }
0xc5: {  	[dreg:$0x0] =	wrdreg $0xFFFFFFFF;
	(pc) =	sbr.abs _section_cstart, $3  }
0xc6: {  	[dreg:$0x1] =	wrdreg $0xFFFFFFFF  }
0xc7: {  	_ =	task.clear_ibuf [dreg:s7], $0x2FFFF;
	_ =	strace $0x9FFFFFFF  }
0xc8: {  	(tm) =	ssettm $0x7FFFFFFF  }
0xc9: {  	_ =	shalt  }
tec
execute0_lowered:
.L_overlay_start_1:
0x0: {  	(tag) =	ssettag $0x1  }
0x1: {  	s2 =	rddreg [dreg:$0x0]  }
0x2: {  	s0 =	stileid.u32;
	s1 =	srdreg.scid  }
0x3: {  	s3 =	rddreg [dreg:$0x1];
	s8 =	simm.s32 $0x1;
	s9 =	simm.s32 $0x3  }
0x4: {  	s10 =	simm.s32 $0x0;
	s4 =	sand.u32 $0x1, s1;
	s5 =	sshll.u32 s0, $0x1  }
0x5: {  	s13 =	simm.s32 $0x0;
	s12 =	simm.s32 $0x0;
	s6 =	sor.u32 s5, s4  }
0x6: {  	s1 =	rddreg [dreg:$0x2];
	_ =	strace $0x80000047;
	s4 =	smul.u32 $0x50, s6  }
0x7: {  	s5 =	simm.s32 $0x1;
	p0 =	slt.u32 s6, $0x13;
	s6 =	simm.s32 $0xA00  }
.Ltmp0:
0x8: {  	s6 =	simm.s32 @!p0 $0x0;
	s7 =	ssub.s32 $0xFA0, s4;
	(pc) =	sbr.rel .LBB2_1-.Ltmp0, $4  }
0x9: {  	s8 =	simm.s32 @!p0 $0x0;
	p0 =	sne.s32 s7, s6;
	s7 =	simm.s32 $0x1  }
0xa: {  	[sflag:s5] =	ssyncpa.u1 $0x0;
	s6 =	simm.s32 $0x2;
	s7 =	simm.s32 @!p0 $0x0  }
0xb: {  	s11 =	smov.u32 s4;
	[sflag:s6] =	ssyncpa.u1 $0x0;
	s7 =	sadd.s32 s8, s7  }
0xc: {  	vm0 =	vmmov $0xffff;
	s8 =	sadd.s32 $0x15600, s2;
	[sflag:s9] =	ssyncpa.u1 $0x0;
	s9 =	sadd.s32 $0x1, s7  }
.LBB2_4:
0xd: {  	v5 =	vshll.u32 v1, $0x5  }
0xe: {  	vm1 =	veq.s32 v1, $0x80000000;
	v60 =	vand.u32 $0x3, v1;
	v5 =	vand.u32 $0xFFF80, v5  }
0xf: {  	v1 =	vsel vm1, $0xFFFFFFFF, v60;
	v5 =	vsel vm1, $0xFFFFFF80, v5  }
0x10: {  	v3 =	vor.u32 v4, v3;
	v6 =	vand.u32 $0xFFFFFC00, v1;
	v61 =	vand.u32 $0xFFFFFC00, v5  }
0x11: {  	v2 =	vor.u32 v2, v3;
	v63 =	vand.u32 $0x380, v5;
	v62 =	vadd.s32 v6, v61  }
0x12: {  	v1 =	vand.u32 $0x7F, v1;
	v3 =	vor.u32 v63, v62  }
0x13: {  	v1 =	vor.u32 v1, v3  }
0x14: {  	[tilespmem:s17], [sflag:$0x1] =	stream.indirect_vreg.gather [hbm4b:s2+s10], $0x1, v0, vm0, $0x4038;
	[tilespmem:$0x140] =	vst v63  }
0x15: {  	(ifvalue) =	ssetifvalue $0x7FFFFFFF  }
0x16: {  	[tilespmem:s15], [sflag:$0x1] =	stream.indirect_vreg.gather [hbm4b:s2+s10], $0x1, v2, vm0, $0x4038;
	[tilespmem:$0x140] =	vst v63  }
0x17: {  	s29 =	sadd.s32 $0x10, s15;
	(ifvalue) =	ssetifvalue $0x7FFFFFFF  }
0x18: {  	[tilespmem:s29], [sflag:$0x1] =	stream.indirect_vreg.gather [hbm4b:s2+s10], $0x1, v1, vm0, $0x4038;
	[tilespmem:$0x140] =	vst v63  }
0x19: {  	_ =	swait.ge [sflag:s5], $0x50  }
0x1a: {  	s30 =	sshrl.u32 s13, $0x3;
	[sflag:s5] =	ssyncset.done $0x0  }
0x1b: {  	s31 =	sand.u32 $0x7, s13;
	s15 =	sadd.s32 s8, s30;
	[sflag:s5] =	ssyncadd.s32 $0xFFFFFFB0  }
0x1c: {  	[hbm4b:s15+s31] =	stream.linear.scatter [tilespmem:s14], [sflag:$0x3], $0x50, $0x38;
	[tilespmem:$0x140] =	vst v63  }
.LBB2_5:
0x1d: {  	s15 =	sadd.s32 $0xA00, s11  }
0x1e: {  	p1 =	sgt.s32 s15, $0xF9F  }
0x1f: {  	s15 =	smov.u32 @p1 s4;
	p1 =	sne.s32 s12, s9  }
.Ltmp1:
0x20: {  	p0 =	slt.u32 s12, $0x2;
	(pc) =	sbr.rel @!p1 .LBB2_6-.Ltmp1, $4  }
0x21: {  	s14 =	simm.s32 @!p0 $0x3  }
0x22: {  	_ =	swait.ge @!p0 [sflag:s14], $0x50  }
0x23: {  	s16 =	sadd.s32 $0x1, s12;
	s13 =	smov.u32 s11;
	[sflag:s14] =	ssyncset.done @!p0 $0x0  }
0x24: {  	s12 =	smov.u32 s16;
	s11 =	smov.u32 s15;
	[sflag:s14] =	ssyncadd.s32 @!p0 $0xFFFFFFB0  }
.LBB2_1:
0x25: {  	p0 =	sge.u32 s12, s7  }
0x26: {  	s14 =	sxor.u32 @!p0 $0x1, s12  }
0x27: {  	s14 =	smul.u32 @!p0 $0x140, s14  }
0x28: {  	s31 =	sadd.s32 $0xFFFFFFFF, s12;
	s15 =	sshrl.u32 @!p0 s11, $0x3  }
0x29: {  	s16 =	sand.u32 @!p0 $0x7, s11;
	s15 =	sadd.s32 @!p0 s3, s15;
	s14 =	sshra.s32 @!p0 s14, $0x2  }
0x2a: {  	[tilespmem:s14], [sflag:$0x2] =	stream.linear.gather @!p0 [hbm4b:s15+s16], $0x50, $0x38;
	[tilespmem:$0x140] =	vst v63  }
0x2b: {  	p0 =	sge.u32 s31, s7  }
.Ltmp2:
0x2c: {  	_ = 	snop;
	(pc) =	sbr.rel @p0 .LBB2_5-.Ltmp2, $1  }
0x2d: {  	_ =	sdelay $0x3  }
0x2e: {  	s14 =	sand.u32 $0x1, s12  }
0x2f: {  	_ =	swait.ge [sflag:s6], $0x50;
	p0 =	seq.s32 s14, $0x1;
	s14 =	simm.s32 $0x50  }
0x30: {  	[sflag:s6] =	ssyncset.done $0x0;
	s14 =	simm.s32 @!p0 $0x0  }
0x31: {  	[sflag:s6] =	ssyncadd.s32 $0xFFFFFFB0;
	(ifvalue) =	ssetifvalue $0x7FFFFFFF;
	v0 =	vld.msk [tilespmem:s14+$0x0 ss:$0x1], $0xffff;
	_ =	sdelay $0x4  }
0x32: {  	s15 =	sadd.s32 $0x10, s14;
	v2 =	vshll.u32 v0, $0x5  }
0x33: {  	v1 =	vld.msk [tilespmem:s15+$0x0 ss:$0x1], $0xffff;
	vm1 =	veq.s32 v0, $0x80000000;
	v0 =	vand.u32 $0x3, v0;
	v2 =	vand.u32 $0xFFF80, v2  }
0x34: {  	v0 =	vsel vm1, $0xFFFFFFFF, v0;
	v2 =	vsel vm1, $0xFFFFFF80, v2  }
0x35: {  	v3 =	vand.u32 $0x7F, v0;
	v0 =	vand.u32 $0xFFFFFC00, v0;
	v4 =	vand.u32 $0xFFFFFC00, v2  }
0x36: {  	v2 =	vand.u32 $0x380, v2;
	v0 =	vadd.s32 v0, v4  }
0x37: {  	v0 =	vor.u32 v2, v0  }
0x38: {  	v4 =	vshll.u32 v1, $0x5;
	v0 =	vor.u32 v3, v0  }
0x39: {  	vm1 =	veq.s32 v1, $0x80000000;
	v1 =	vand.u32 $0x3, v1;
	v4 =	vand.u32 $0xFFF80, v4  }
0x3a: {  	s14 =	sor.u32 $0xA0, s14;
	s15 =	sadd.s32 $0x10, s15;
	v2 =	vsel vm1, $0xFFFFFFFF, v1;
	v4 =	vsel vm1, $0xFFFFFF80, v4  }
0x3b: {  	s16 =	simm.s32 $0x20;
	s17 =	smov.u32 s14;
	v1 =	vld.msk [tilespmem:s15+$0x0 ss:$0x1], $0xffff;
	v5 =	vand.u32 $0xFFFFFC00, v2;
	v3 =	vand.u32 $0xFFFFFC00, v4  }
0x3c: {  	s18 =	sadd.s32 $0x10, s15;
	(ifvalue) =	ssetifvalue $0x7FFFFFFF;
	s15 =	sadd.s32 $0x10, s14;
	v2 =	vand.u32 $0x7F, v2;
	v4 =	vand.u32 $0x380, v4;
	v3 =	vadd.s32 v5, v3  }
.LBB2_3:
0x3d: {  	[tilespmem:s17], [sflag:$0x1] =	stream.indirect_vreg.gather [hbm4b:s2+s10], $0x1, v0, vm0, $0x4038;
	[tilespmem:$0x140] =	vst v63  }
0x3e: {  	s16 =	sadd.s32 $0x10, s16  }
0x3f: {  	v3 =	vor.u32 v4, v3;
	p0 =	slt.u32 s16, $0x40  }
.Ltmp3:
0x40: {  	v4 =	vshll.u32 v1, $0x5;
	s17 =	smov.u32 s15;
	v0 =	vor.u32 v2, v3;
	v2 =	vmov v1;
	v1 =	vld.msk [tilespmem:s18+$0x0 ss:$0x1], $0xffff;
	(pc) =	sbr.rel @p0 .LBB2_3-.Ltmp3, $4  }
0x41: {  	v3 =	vand.u32 $0xFFF80, v4;
	vm1 =	veq.s32 v2, $0x80000000;
	v2 =	vand.u32 $0x3, v2  }
0x42: {  	v4 =	vsel vm1, $0xFFFFFFFF, v2;
	v5 =	vsel vm1, $0xFFFFFF80, v3  }
0x43: {  	v2 =	vand.u32 $0x7F, v4;
	v3 =	vand.u32 $0xFFFFFC00, v5;
	v4 =	vand.u32 $0xFFFFFC00, v4  }
0x44: {  	s15 =	sadd.s32 $0x10, s15;
	s18 =	sadd.s32 $0x10, s18;
	v3 =	vadd.s32 v4, v3;
	v4 =	vand.u32 $0x380, v5;
	(ifvalue) =	ssetifvalue $0x7FFFFFFF  }
.Ltmp4:
0x45: {  	_ = 	snop;
	(pc) =	sbr.rel .LBB2_4-.Ltmp4, $1  }
0x46: {  	_ =	sdelay $0x3  }
.LBB2_6:
0x47: {  	_ =	sfence.sel $0x180000  }
0x48: {  	s2 =	simm.s32 $0x2;
	[bflag:$0x0] =	sbarrier.arrive $0xFFFF  }
0x49: {  	s30 =	simm.s32 $0x3;
	[sflag:s2] =	ssyncpa.u1 $0x1  }
0x4a: {  	s31 =	simm.s32 $0x1;
	[sflag:s30] =	ssyncpa.u1 $0x1  }
0x4b: {  	[sflag:s31] =	ssyncpa.u1 $0x1  }
0x4c: {  	p0 =	sne.s32 s0, $0x0;
	_ =	strace $0x90000047  }
0x4d: {  	s0 =	sadd.s32 @!p0 $0x100000, s1;
	[bflag:$0x2] =	sbarrier.arrive $0xFFFF  }
0x4e: {  	[sflag:s0] =	ssyncadd.tile.s32 @!p0 $0x1;
	_ =	shalt  }
.Lfunc_end2:
_tile_overlayer_lowered:
.L_overlay_start_2:
0x4f: {  	(tag) =	ssettag $0x2  }
0x50: {  	s0 =	rddreg [dreg:$0x0];
	s2 =	stileid.u32  }
0x51: {  	s1 =	rddreg [dreg:$0x1];
	p0 =	sne.s32 s2, $0x0  }
0x52: {  	s3 =	rddreg [dreg:$0x2];
	[bflag:$0x3] =	sbarrier.arrive $0xFFFF;
	s2 =	simm.s32 @!p0 $0x1C01  }
0x53: {  	[timem:s3], [sflag:s2] =	dma.local @!p0 [hbm:s0], s1  }
0x54: {  	s0 =	simm.s32 @!p0 $0x1  }
0x55: {  	_ =	swait.ge @!p0 [sflag:s0], s1  }
0x56: {  	s1 =	ssub.s32 @!p0 $0x0, s1;
	[sflag:s0] =	ssyncset.done @!p0 $0x0  }
0x57: {  	[sflag:s0] =	ssyncadd.s32 @!p0 s1  }
0x58: {  	[bflag:$0x3] =	sbarrier.arrive $0xFFFF  }
0x59: {  	_ =	shalt  }

// kernel: gather_offload_async_start
scs
__scs_entry_jumppad:
0x0: {  	(pc) =	sbr.rel $0x88, $3  }
0x1: {  	(tag) =	ssettag $0x0;
	lr =	simm.s32 $0x1  }
0x2: {  	[smem:$0x3F98] =	sst lr;
	_ =	strace $0xD0000000  }
0x3: {  	_ = 	snop  }
0x4: {  	_ = 	snop  }
0x5: {  	_ = 	snop  }
0x6: {  	_ = 	snop  }
0x7: {  	_ = 	snop  }
__scs_overlays_trampoline_lowered:
0x8: {  	[smem:$0x3FA7] =	sst s0  }
0x9: {  	[smem:$0x3FA8] =	sst s1  }
0xa: {  	[smem:$0x3FA9] =	sst s2  }
0xb: {  	[smem:$0x3FAA] =	sst s3  }
0xc: {  	[smem:$0x3FAB] =	sst s4  }
0xd: {  	[smem:$0x3FAC] =	sst s5  }
0xe: {  	[smem:$0x3FAD] =	sst s6  }
0xf: {  	[smem:$0x3FAE] =	sst s7  }
0x10: {  	[smem:$0x3FAF] =	sst s8  }
0x11: {  	[smem:$0x3FB0] =	sst s9;
	s0 =	simm.s32 @!p0 $0x0  }
0x12: {  	s1 =	sld [smem:$0x3F96];
	s0 =	simm.s32 @p0 $0x1  }
0x13: {  	[smem:$0x3FB1] =	sst s0;
	s0 =	simm.s32 @!p1 $0x0  }
0x14: {  	s2 =	sld [smem:$0x3F95];
	s0 =	simm.s32 @p1 $0x1  }
0x15: {  	[smem:$0x3FB2] =	sst s0;
	s0 =	simm.s32 @!p2 $0x0  }
0x16: {  	s3 =	sld [smem:$0x3FDB];
	s0 =	simm.s32 @p2 $0x1  }
0x17: {  	s4 =	simm.s32 $0x1BF5;
	[smem:$0x3FB4] =	sst s0  }
0x18: {  	s0 =	sld [smem:$0x3F97];
	_ =	swait.ge [sflag:s4], $0x0  }
0x19: {  	s7 =	sld [smem:$0x3F98]  }
0x1a: {  	s8 =	sadd.s32 $0xFFFFE003, lr  }
0x1b: {  	s9 =	sadd.s32 $0xFFFFFEF7, lr;
	s5 =	simm.s32 $0xFFFFFFFF;
	p2 =	slt.u32 s8, $0xFFFFF086  }
0x1c: {  	p1 =	slt.u32 s9, $0xF7A;
	s5 =	simm.s32 @!p2 $0x0  }
0x1d: {  	s5 =	simm.s32 @p1 $0x1;
	p0 =	seq.s32 s7, s2  }
0x1e: {  	s7 =	smul.u32 @!p0 $0xF7A, s2;
	p2 =	seq.s32 @!p0 s5, $0x0  }
0x1f: {  	s9 =	smul.u32 $0xF7A, s1;
	s8 =	simm.s32 @!p0 $0x1BF5;
	p2 =	por !p2, p0  }
0x20: {  	[sflag:s8] =	ssyncset.s32 @!p0 $0xFFFFF086;
	s6 =	sadd.s32 @!p0 s3, s7;
	s7 =	simm.s32 @!p0 $0x108  }
0x21: {  	s3 =	sadd.s32 s3, s9;
	s6 =	sadd.s32 @!p0 $0x88, s6;
	s7 =	simm.s32 @p2 $0x1082  }
0x22: {  	[simem:s7], [sflag:s8] =	dma.local @!p0 [hbm:s6], $0xF7A  }
0x23: {  	s9 =	sor.u32 $0xD0000000, s2;
	s6 =	simm.s32 $0x108;
	_ =	swait.ge @!p0 [sflag:s8], $0x0  }
0x24: {  	s3 =	sadd.s32 $0x88, s3;
	s6 =	simm.s32 @!p1 $0x1082;
	[sflag:s4] =	ssyncset.s32 $0xFFFFF086  }
0x25: {  	[simem:s6], [sflag:s4] =	dma.local [hbm:s3], $0xF7A  }
0x26: {  	[smem:$0x3F98] =	sst s1;
	(tag) =	ssettag s2;
	_ =	strace s9  }
0x27: {  	s1 =	sld [smem:$0x3FA8]  }
0x28: {  	s2 =	sld [smem:$0x3FA9]  }
0x29: {  	s4 =	sld [smem:$0x3FAB]  }
0x2a: {  	p0 =	seq.s32 s5, $0x0;
	s5 =	sld [smem:$0x3FAC]  }
0x2b: {  	s6 =	sld [smem:$0x3FAD]  }
0x2c: {  	s7 =	sld [smem:$0x3FAE]  }
0x2d: {  	s3 =	simm.s32 $0x108;
	s8 =	sld [smem:$0x3FAF]  }
0x2e: {  	s3 =	simm.s32 @!p0 $0x1082;
	s9 =	sld [smem:$0x3FB0]  }
0x2f: {  	lr =	sadd.s32 s0, s3;
	s0 =	sld [smem:$0x3FA7]  }
0x30: {  	s3 =	sld [smem:$0x3FAA]  }
0x31: {  	[smem:$0x3FB3] =	sst s10  }
0x32: {  	s10 =	sld [smem:$0x3FB1];
	_ =	sdelay $0x3  }
0x33: {  	p0 =	seq.s32 s10, $0x1;
	s10 =	sld [smem:$0x3FB3];
	_ =	sdelay $0x3  }
0x34: {  	[smem:$0x3FB3] =	sst s10  }
0x35: {  	s10 =	sld [smem:$0x3FB2];
	_ =	sdelay $0x3  }
0x36: {  	p1 =	seq.s32 s10, $0x1;
	s10 =	sld [smem:$0x3FB3];
	_ =	sdelay $0x3  }
0x37: {  	[smem:$0x3FB3] =	sst s10  }
0x38: {  	s10 =	sld [smem:$0x3FB4]  }
0x39: {  	_ = 	snop;
	(pc) =	sbr.ind lr, $3  }
0x3a: {  	_ = 	snop  }
0x3b: {  	_ = 	snop  }
0x3c: {  	p2 =	seq.s32 s10, $0x1;
	s10 =	sld [smem:$0x3FB3]  }
0x3d: {  	_ =	shalt  }
0x3e: {  	_ =	shalt  }
0x3f: {  	_ =	shalt  }
0x40: {  	_ =	shalt  }
0x41: {  	_ =	shalt  }
0x42: {  	_ =	shalt  }
0x43: {  	_ =	shalt  }
0x44: {  	_ =	shalt  }
0x45: {  	_ =	shalt  }
0x46: {  	_ =	shalt  }
0x47: {  	_ =	shalt  }
0x48: {  	_ =	shalt  }
0x49: {  	_ =	shalt  }
0x4a: {  	_ =	shalt  }
0x4b: {  	_ =	shalt  }
0x4c: {  	_ =	shalt  }
0x4d: {  	_ =	shalt  }
0x4e: {  	_ =	shalt  }
0x4f: {  	_ =	shalt  }
0x50: {  	_ =	shalt  }
0x51: {  	_ =	shalt  }
0x52: {  	_ =	shalt  }
0x53: {  	_ =	shalt  }
0x54: {  	_ =	shalt  }
0x55: {  	_ =	shalt  }
0x56: {  	_ =	shalt  }
0x57: {  	_ =	shalt  }
0x58: {  	_ =	shalt  }
0x59: {  	_ =	shalt  }
0x5a: {  	_ =	shalt  }
0x5b: {  	_ =	shalt  }
0x5c: {  	_ =	shalt  }
0x5d: {  	_ =	shalt  }
0x5e: {  	_ =	shalt  }
0x5f: {  	_ =	shalt  }
0x60: {  	_ =	shalt  }
0x61: {  	_ =	shalt  }
0x62: {  	_ =	shalt  }
0x63: {  	_ =	shalt  }
0x64: {  	_ =	shalt  }
0x65: {  	_ =	shalt  }
0x66: {  	_ =	shalt  }
0x67: {  	_ =	shalt  }
0x68: {  	_ =	shalt  }
0x69: {  	_ =	shalt  }
0x6a: {  	_ =	shalt  }
0x6b: {  	_ =	shalt  }
0x6c: {  	_ =	shalt  }
0x6d: {  	_ =	shalt  }
0x6e: {  	_ =	shalt  }
0x6f: {  	_ =	shalt  }
0x70: {  	_ =	shalt  }
0x71: {  	_ =	shalt  }
0x72: {  	_ =	shalt  }
0x73: {  	_ =	shalt  }
0x74: {  	_ =	shalt  }
0x75: {  	_ =	shalt  }
0x76: {  	_ =	shalt  }
0x77: {  	_ =	shalt  }
0x78: {  	_ =	shalt  }
0x79: {  	_ =	shalt  }
0x7a: {  	_ =	shalt  }
0x7b: {  	_ =	shalt  }
0x7c: {  	_ =	shalt  }
0x7d: {  	_ =	shalt  }
0x7e: {  	_ =	shalt  }
0x7f: {  	_ =	shalt  }
0x80: {  	_ =	shalt  }
0x81: {  	_ =	shalt  }
0x82: {  	_ =	shalt  }
0x83: {  	_ =	shalt  }
0x84: {  	_ =	shalt  }
0x85: {  	_ =	shalt  }
0x86: {  	_ =	shalt  }
0x87: {  	_ =	shalt  }
.Lfunc_end0:
.L_simem_size_0:
called_computation_lowered:
.L_overlay_start_0:
0x88: {  	s2 =	sld [smem:$0x3FD9]  }
0x89: {  	s3 =	sld [smem:$0x3FFE];
	_ =	sdelay $0x1  }
0x8a: {  	s1 =	srdreg.scid  }
0x8b: {  	s0 =	sand.u32 $0x1, s1  }
0x8c: {  	s15 =	sshll.u32 s0, $0xA;
	s2 =	sadd.s32 s3, s2  }
0x8d: {  	s2 =	sadd.s32 s2, s15  }
0x8e: {  	[smem:$0x3FBF] =	sst s2  }
0x8f: {  	_ = 	snop  }
0x90: {  	s2 =	sld [smem:$0x3FD0];
	_ =	sdelay $0x2  }
0x91: {  	s16 =	simm.s32 $0xB;
	s4 =	simm.s32 $0x10  }
0x92: {  	[smem:s4], [sflag:s16] =	dma.local [hbm:s2], $0x1  }
0x93: {  	_ =	swait.eq [sflag:s16], $0x1  }
0x94: {  	[sflag:s16] =	ssyncset.done $0x0  }
0x95: {  	[sflag:s16] =	ssyncadd.s32 $0xFFFFFFFF  }
0x96: {  	s17 =	sld [smem:$0x10];
	(tm) =	ssettm $0x1  }
0x97: {  	s18 =	sld [smem:$0x3FFB];
	_ =	sdelay $0x3  }
0x98: {  	_ =	strace s18  }
0x99: {  	s2 =	sld [smem:$0x3FFC];
	_ =	sdelay $0x3  }
0x9a: {  	_ =	strace s2  }
0x9b: {  	s2 =	sld [smem:$0x3FFD];
	_ =	sdelay $0x3  }
0x9c: {  	_ =	strace s2  }
0x9d: {  	_ =	strace $0x8FFFFFFF  }
0x9e: {  	s19 =	sld [smem:$0x3FDB];
	_ =	sdelay $0x1  }
0x9f: {  	s20 =	simm.s32 $_scs_section_size  }
0xa0: {  	s5 =	simm.s32 $_size__tile_overlayer_lowered;
	s6 =	simm.s32 $_tile_overlayer_lowered  }
0xa1: {  	s7 =	simm.s32 $0x1BFF;
	s21 =	sshll.u32 s6, $0x1;
	s4 =	sadd.s32 s20, s19  }
0xa2: {  	s22 =	simm.s32 $0x0;
	s5 =	sshll.u32 s5, $0x1;
	s6 =	sadd.s32 s21, s4  }
0xa3: {  	[timem:s22], [sflag:s7] =	dma.local [hbm:s6], s5  }
0xa4: {  	_ =	swait.ge [sflag:s7], s5  }
0xa5: {  	s5 =	ssub.s32 $0x0, s5;
	[sflag:s7] =	ssyncset.done $0x0  }
0xa6: {  	[sflag:s7] =	ssyncadd.s32 s5;
	_ =	sdelay $0x1  }
0xa7: {  	s23 =	simm.s32 $0x1B8B  }
0xa8: {  	_ =	swait.ge [sflag:s23], $0x1  }
0xa9: {  	[sflag:s23] =	ssyncset.done $0x0  }
0xaa: {  	[sflag:s23] =	ssyncadd.s32 $0xFFFFFFFF  }
0xab: {  	s5 =	sld [smem:$0x0]  }
0xac: {  	s6 =	sand.u32 $0xFFFFFFFE, s1  }
0xad: {  	p0 =	sne.s32 s1, s6  }
0xae: {  	s6 =	sshll.u32 @p0 s6, $0xE  }
0xaf: {  	s6 =	sadd.s32 @p0 $0x11B8D, s6;
	s7 =	sshll.u32 @p0 s5, $0x11  }
0xb0: {  	s6 =	sor.u32 @p0 s7, s6  }
0xb1: {  	[sflag:s6] =	ssyncadd.remote.s32 @p0 $0x1;
	_ =	sdelay $0x1  }
0xb2: {  	s6 =	simm.s32 @p0 $0x1B8D  }
0xb3: {  	_ =	swait.eq @p0 [sflag:s6], $0x1  }
0xb4: {  	[sflag:s6] =	ssyncadd.s32 @p0 $0xFFFFFFFF  }
0xb5: {  	s7 =	sshll.u32 @!p0 s1, $0xE  }
0xb6: {  	s7 =	sor.u32 @!p0 $0x4000, s7;
	s6 =	simm.s32 @!p0 $0x1B8D  }
0xb7: {  	s5 =	sshll.u32 @!p0 s5, $0x11;
	s7 =	sadd.s32 @!p0 $0x11B8D, s7;
	_ =	swait.eq @!p0 [sflag:s6], $0x1  }
0xb8: {  	s5 =	sor.u32 @!p0 s5, s7;
	[sflag:s6] =	ssyncadd.s32 @!p0 $0xFFFFFFFF  }
0xb9: {  	s25 =	simm.s32 $0x1B8E;
	s24 =	sld [smem:$0x3FFE];
	[sflag:s5] =	ssyncadd.remote.s32 @!p0 $0x1  }
0xba: {  	s26 =	simm.s32 $execute0_lowered;
	[smem:$0x3FD2] =	sst s25  }
0xbb: {  	s6 =	sshll.u32 s26, $0x1;
	_ =	strace $0x80000049;
	[dreg:$0x1] =	wrdreg $0xFFFFFFFF  }
0xbc: {  	s28 =	simm.s32 $_size_execute0_lowered;
	s4 =	sadd.s32 s4, s6;
	[dreg:$0x0] =	wrdreg $0x0  }
0xbd: {  	s6 =	sshll.u32 s28, $0x1;
	[dreg:$0x2] =	wrdreg s4  }
0xbe: {  	[dreg:$0x3] =	wrdreg s6  }
0xbf: {  	[dreg:$0x4] =	wrdreg $0xC0  }
0xc0: {  	_ =	task [dreg:s22], $0x5FFFF  }
0xc1: {  	[dreg:$0x1] =	wrdreg $0xFFFFFFFF  }
0xc2: {  	[dreg:$0x0] =	wrdreg $0x60  }
0xc3: {  	[dreg:$0x2] =	wrdreg s24  }
0xc4: {  	[dreg:$0x3] =	wrdreg s17  }
0xc5: {  	[dreg:$0x4] =	wrdreg $0x9  }
0xc6: {  	_ =	task.clear_ibuf [dreg:s22], $0x5FFFF;
	_ =	strace $0x90000049  }
0xc7: {  	s29 =	simm.s32 $0x9;
	_ =	strace $0x8000004B  }
0xc8: {  	_ =	swait.ge [sflag:s29], $0x1  }
0xc9: {  	[sflag:s29] =	ssyncadd.s32 $0xFFFFFFFF  }
0xca: {  	_ =	strace $0x9000004B  }
0xcb: {  	_ =	sfence  }
0xcc: {  	s30 =	sld [smem:$0x0];
	_ =	sdelay $0x2  }
0xcd: {  	s31 =	sshll.u32 s1, $0xD;
	s1 =	sshrl.u32 s1, $0x2  }
0xce: {  	s4 =	sand.u32 $0x4000, s31;
	s1 =	sadd.s32 s1, s30  }
0xcf: {  	s0 =	sor.u32 s4, s0;
	s1 =	sshll.u32 s1, $0x11  }
0xd0: {  	s0 =	sor.u32 s1, s0  }
0xd1: {  	s0 =	sadd.s32 $0x8F2B, s0  }
0xd2: {  	[sflag:s0] =	ssyncadd.remote.s32 $0x1  }
0xd3: {  	_ =	sfence.sel $0xFFFF  }
0xd4: {  	[dreg:$0x0] =	wrdreg $0xFFFFFFFF;
	(pc) =	sbr.abs _section_cstart, $3  }
0xd5: {  	[dreg:$0x1] =	wrdreg $0xFFFFFFFF  }
0xd6: {  	_ =	task.clear_ibuf [dreg:s22], $0x2FFFF;
	_ =	strace $0x9FFFFFFF  }
0xd7: {  	(tm) =	ssettm $0x7FFFFFFF  }
tec
execute0_lowered:
.L_overlay_start_1:
0x0: {  	(tag) =	ssettag $0x1  }
0x1: {  	s0 =	srdreg.scid  }
0x2: {  	s1 =	sshll.u32 s0, $0x4  }
0x3: {  	s0 =	stileid.u32;
	s1 =	sand.u32 $0x10, s1  }
0x4: {  	s2 =	sor.u32 s0, s1  }
0x5: {  	s1 =	smin.u32 s2, $0x12  }
0x6: {  	s1 =	sadd.s32 s2, s1  }
0x7: {  	p0 =	slt.u32 s2, $0x12;
	s2 =	simm.s32 $0xA0;
	s1 =	smul.u32 $0x50, s1  }
0x8: {  	s2 =	simm.s32 @!p0 $0x50  }
0x9: {  	s2 =	sadd.s32 s2, s1  }
0xa: {  	s3 =	smin.u32 s2, $0xFA0  }
0xb: {  	s7 =	ssub.s32 s3, s1  }
0xc: {  	p0 =	sgt.s32 s7, $0x0  }
0xd: {  	s7 =	simm.s32 @!p0 $0x0  }
0xe: {  	s9 =	rddreg [dreg:$0x0];
	s31 =	smul.u32 $0xCCCD, s7  }
0xf: {  	s4 =	rddreg [dreg:$0x1];
	s6 =	simm.s32 $0x1  }
0x10: {  	s11 =	simm.s32 $0x3;
	s13 =	simm.s32 $0x0;
	s8 =	sshrl.u32 s31, $0x16  }
0x11: {  	s12 =	simm.s32 $0x0;
	s5 =	sadd.s32 $0x15800, s9;
	s10 =	smul.u32 $0x50, s8  }
.Ltmp0:
0x12: {  	s9 =	sadd.s32 $0x6AC00, s9;
	s2 =	rddreg [dreg:$0x2];
	(pc) =	sbr.rel .LBB2_1-.Ltmp0, $4  }
0x13: {  	_ =	strace $0x8000004A;
	p0 =	sne.s32 s7, s10;
	s10 =	simm.s32 $0x1  }
0x14: {  	[sflag:s6] =	ssyncpa.u1 $0x0;
	s7 =	simm.s32 $0x2;
	s10 =	simm.s32 @!p0 $0x0  }
0x15: {  	[sflag:s7] =	ssyncpa.u1 $0x0;
	p0 =	por $0x0, $0x0;
	s8 =	sadd.s32 s8, s10  }
0x16: {  	vm0 =	vmmov $0xff;
	vm1 =	vcmask $0x3F20;
	[sflag:s11] =	ssyncpa.u1 $0x0;
	s11 =	smov.u32 s1;
	s10 =	sadd.s32 $0x1, s8  }
.LBB2_6:
0x17: {  	[hbm:s17] =	stream.linear.scatter [tilespmem:s14], [sflag:$0x3], $0x400, $0x38;
	[tilespmem:$0x50A0] =	vst v63  }
.LBB2_7:
0x18: {  	s13 =	sadd.s32 $0x50, s11  }
0x19: {  	s15 =	smov.u32 s1;
	p2 =	slt.s32 s13, s3  }
0x1a: {  	s15 =	smov.u32 @p2 s13;
	p2 =	sne.s32 s12, s10  }
.Ltmp1:
0x1b: {  	p1 =	slt.u32 s12, $0x2;
	(pc) =	sbr.rel @!p2 .LBB2_8-.Ltmp1, $4  }
0x1c: {  	s14 =	simm.s32 @!p1 $0x3  }
0x1d: {  	s16 =	sadd.s32 $0x1, s12;
	_ =	swait.ge @!p1 [sflag:s14], $0x2800  }
0x1e: {  	p0 =	por !p0, !p0;
	s13 =	smov.u32 s11;
	[sflag:s14] =	ssyncset.done @!p1 $0x0  }
0x1f: {  	s12 =	smov.u32 s16;
	s11 =	smov.u32 s15;
	[sflag:s14] =	ssyncadd.s32 @!p1 $0xFFFFD800  }
.LBB2_1:
0x20: {  	p1 =	sge.u32 s12, s8  }
0x21: {  	s14 =	sxor.u32 @!p1 $0xFFFFFFFF, s12  }
0x22: {  	s14 =	sand.u32 @!p1 $0x1, s14  }
0x23: {  	s14 =	smul.u32 @!p1 $0x140, s14  }
0x24: {  	s31 =	sadd.s32 $0xFFFFFFFF, s12;
	s15 =	sshrl.u32 @!p1 s11, $0x3  }
0x25: {  	s16 =	sand.u32 @!p1 $0x7, s11;
	s15 =	sadd.s32 @!p1 s4, s15;
	s14 =	sshrl.u32 @!p1 s14, $0x2  }
0x26: {  	[tilespmem:s14], [sflag:$0x2] =	stream.linear.gather @!p1 [hbm4b:s15+s16], $0x50, $0x38;
	[tilespmem:$0x50A0] =	vst v63  }
0x27: {  	p1 =	sge.u32 s31, s8  }
.Ltmp2:
0x28: {  	_ = 	snop;
	(pc) =	sbr.rel @p1 .LBB2_7-.Ltmp2, $1  }
0x29: {  	_ =	sdelay $0x3  }
0x2a: {  	s14 =	simm.s32 $0x1  }
0x2b: {  	s14 =	simm.s32 @!p0 $0x0  }
0x2c: {  	s15 =	smul.u32 $0x140, s14  }
0x2d: {  	_ =	swait.ge [sflag:s7], $0x50  }
0x2e: {  	[sflag:s7] =	ssyncset.done $0x0;
	s16 =	sshrl.u32 s15, $0x2  }
0x2f: {  	[sflag:s7] =	ssyncadd.s32 $0xFFFFFFB0;
	s15 =	sadd.s32 $0x0, s16  }
0x30: {  	v0 =	vld.msk [tilespmem:s15+$0x0 ss:$0x1], $0xffff;
	_ =	sdelay $0x4  }
0x31: {  	v1 =	vand.u32 $0x3, v0;
	v2 =	vshll.u32 v0, $0x5  }
0x32: {  	vm2 =	veq.s32 v0, $0x80000000;
	v0 =	vmul.u32 $0xAA800, v1;
	v1 =	vand.u32 $0xFFF80, v2  }
0x33: {  	v1 =	vsel vm2, $0xFFFFFF80, v1  }
0x34: {  	v0 =	vsel vm2, $0xFFF55800, v0;
	v2 =	vand.u32 $0xFFFFFC00, v1  }
0x35: {  	v1 =	vand.u32 $0x380, v1;
	v0 =	vadd.s32 v0, v2  }
0x36: {  	v0 =	vor.u32 v1, v0  }
0x37: {  	v0 =	vshrl.u32 v0, $0x3  }
0x38: {  	s14 =	smul.u32 $0xA000, s14;
	_ =	sdelay $0x1  }
0x39: {  	s14 =	sshrl.u32 s14, $0x2  }
0x3a: {  	s14 =	sor.u32 $0xA0, s14  }
0x3b: {  	[tilespmem:s14], [sflag:$0x1] =	stream.indirect_vreg.gather [hbm:s5], $0x80, v0, vm0, $0x38;
	[tilespmem:$0x50A0] =	vst v63  }
0x3c: {  	s17 =	sadd.s32 $0x10, s16;
	s15 =	sadd.s32 $0x400, s14  }
0x3d: {  	[tilespmem:s15], [sflag:$0x1] =	stream.indirect_vreg.gather [hbm:s5], $0x80, v0, vm1, $0x38;
	[tilespmem:$0x50A0] =	vst v63  }
0x3e: {  	s18 =	simm.s32 $0x80;
	v0 =	vld.msk [tilespmem:s17+$0x0 ss:$0x1], $0xffff;
	s17 =	smov.u32 s14  }
.LBB2_3:
0x3f: {  	p1 =	sne.s32 s18, $0x100;
	_ =	sdelay $0x4  }
0x40: {  	v1 =	vand.u32 $0x3, v0;
	v2 =	vshll.u32 v0, $0x5  }
0x41: {  	vm2 =	veq.s32 v0, $0x80000000;
	v0 =	vmul.u32 $0xAA800, v1;
	v1 =	vand.u32 $0xFFF80, v2  }
0x42: {  	v1 =	vsel vm2, $0xFFFFFF80, v1  }
0x43: {  	v0 =	vsel vm2, $0xFFF55800, v0;
	v2 =	vand.u32 $0xFFFFFC00, v1  }
0x44: {  	v1 =	vand.u32 $0x380, v1;
	v0 =	vadd.s32 v0, v2  }
0x45: {  	v0 =	vor.u32 v1, v0  }
0x46: {  	v0 =	vshrl.u32 v0, $0x3;
	_ =	sdelay $0x3  }
.Ltmp3:
0x47: {  	s19 =	sshra.s32 s18, $0x2;
	s17 =	sadd.s32 $0x800, s17;
	(pc) =	sbr.rel @p1 .LBB2_3-.Ltmp3, $4  }
0x48: {  	[tilespmem:s17], [sflag:$0x1] =	stream.indirect_vreg.gather [hbm:s5], $0x80, v0, vm0, $0x38;
	[tilespmem:$0x50A0] =	vst v63  }
0x49: {  	s19 =	sadd.s32 s19, s16;
	s20 =	sadd.s32 $0x400, s17  }
0x4a: {  	[tilespmem:s20], [sflag:$0x1] =	stream.indirect_vreg.gather [hbm:s5], $0x80, v0, vm1, $0x38;
	[tilespmem:$0x50A0] =	vst v63  }
0x4b: {  	s18 =	sadd.s32 $0x40, s18;
	v0 =	vld.msk [tilespmem:s19+$0x0 ss:$0x1], $0xffff  }
0x4c: {  	_ =	sdelay $0x3  }
0x4d: {  	v1 =	vand.u32 $0x3, v0;
	v2 =	vshll.u32 v0, $0x5  }
0x4e: {  	vm2 =	veq.s32 v0, $0x80000000;
	v61 =	vmul.u32 $0xAA800, v1;
	v62 =	vand.u32 $0xFFF80, v2  }
0x4f: {  	v1 =	vsel vm2, $0xFFFFFF80, v62  }
0x50: {  	v0 =	vsel vm2, $0xFFF55800, v61;
	v63 =	vand.u32 $0xFFFFFC00, v1  }
0x51: {  	v1 =	vand.u32 $0x380, v1;
	v0 =	vadd.s32 v0, v63  }
0x52: {  	v0 =	vor.u32 v1, v0  }
0x53: {  	v0 =	vshrl.u32 v0, $0x3;
	_ =	sdelay $0x3  }
0x54: {  	s16 =	sadd.s32 $0x800, s17  }
0x55: {  	[tilespmem:s16], [sflag:$0x1] =	stream.indirect_vreg.gather [hbm:s5], $0x80, v0, vm0, $0x38;
	[tilespmem:$0x50A0] =	vst v63  }
0x56: {  	s16 =	sadd.s32 $0x400, s16  }
0x57: {  	[tilespmem:s16], [sflag:$0x1] =	stream.indirect_vreg.gather [hbm:s5], $0x80, v0, vm1, $0x38;
	[tilespmem:$0x50A0] =	vst v63  }
0x58: {  	s13 =	sshll.u32 s13, $0x4;
	_ =	swait.ge [sflag:s6], $0x2800  }
0x59: {  	s13 =	sadd.s32 s13, s9;
	[sflag:s6] =	ssyncset.done $0x0  }
0x5a: {  	s17 =	sadd.s32 $0x0, s13;
	s16 =	simm.s32 $0x80;
	[sflag:s6] =	ssyncadd.s32 $0xFFFFD800  }
.LBB2_5:
0x5b: {  	[hbm:s17] =	stream.linear.scatter [tilespmem:s14], [sflag:$0x3], $0x400, $0x38;
	[tilespmem:$0x50A0] =	vst v63  }
0x5c: {  	s17 =	smov.u32 s16;
	s14 =	smov.u32 s15;
	p1 =	sne.s32 s16, $0x480  }
.Ltmp4:
0x5d: {  	s16 =	sadd.s32 $0x80, s16;
	(pc) =	sbr.rel @p1 .LBB2_5-.Ltmp4, $2  }
0x5e: {  	_ =	sdelay $0x2  }
0x5f: {  	s15 =	sadd.s32 $0x400, s15;
	s17 =	sadd.s32 s17, s13  }
.Ltmp5:
0x60: {  	_ = 	snop;
	(pc) =	sbr.rel .LBB2_6-.Ltmp5, $1  }
0x61: {  	_ =	sdelay $0x3  }
.LBB2_8:
0x62: {  	_ =	sfence.sel $0x180000  }
0x63: {  	s1 =	simm.s32 $0x2;
	[bflag:$0x0] =	sbarrier.arrive $0xFFFF  }
0x64: {  	s30 =	simm.s32 $0x3;
	[sflag:s1] =	ssyncpa.u1 $0x1  }
0x65: {  	s31 =	simm.s32 $0x1;
	[sflag:s30] =	ssyncpa.u1 $0x1  }
0x66: {  	[sflag:s31] =	ssyncpa.u1 $0x1  }
0x67: {  	p0 =	sne.s32 s0, $0x0;
	_ =	strace $0x9000004A  }
0x68: {  	s0 =	sadd.s32 @!p0 $0x100000, s2;
	[bflag:$0x2] =	sbarrier.arrive $0xFFFF  }
0x69: {  	[sflag:s0] =	ssyncadd.tile.s32 @!p0 $0x1;
	_ =	shalt  }
.Lfunc_end2:
_tile_overlayer_lowered:
.L_overlay_start_2:
0x6a: {  	(tag) =	ssettag $0x2  }
0x6b: {  	s0 =	rddreg [dreg:$0x0];
	s2 =	stileid.u32  }
0x6c: {  	s1 =	rddreg [dreg:$0x1];
	p0 =	sne.s32 s2, $0x0  }
0x6d: {  	s3 =	rddreg [dreg:$0x2];
	[bflag:$0x3] =	sbarrier.arrive $0xFFFF;
	s2 =	simm.s32 @!p0 $0x1C01  }
0x6e: {  	[timem:s3], [sflag:s2] =	dma.local @!p0 [hbm:s0], s1  }
0x6f: {  	s0 =	simm.s32 @!p0 $0x1  }
0x70: {  	_ =	swait.ge @!p0 [sflag:s0], s1  }
0x71: {  	s1 =	ssub.s32 @!p0 $0x0, s1;
	[sflag:s0] =	ssyncset.done @!p0 $0x0  }
0x72: {  	[sflag:s0] =	ssyncadd.s32 @!p0 s1  }
0x73: {  	[bflag:$0x3] =	sbarrier.arrive $0xFFFF  }
0x74: {  	_ =	shalt  }

</sc_bundles>
